<compile_context>
chip_gen: v7x
topology: tpu7x:2x2x1
jax: 0.10.2.dev20260603
libtpu: 0.0.44.dev20260713+nightly
codegen_flags: <defaults>
</compile_context>

<pallas_src>
import jax
import jax.numpy as jnp
from jax import lax
from jax.experimental import pallas as pl
from jax.experimental.pallas import tpu as pltpu
from jax.experimental.pallas import tpu_sc as plsc

_INFO = plsc.get_sparse_core_info()
_NC, _NS, _L = _INFO.num_cores, _INFO.num_subcores, _INFO.num_lanes
_NW = _NC * _NS

_B = 16384
_D = 128
_V = 1001
_B_PER_W = _B // _NW
_CHUNK = 64
_NCHUNK = _B_PER_W // _CHUNK

_ROWS_PER_SUB = 64


def _gather_body(labels_hbm, table_hbm, out_hbm, idx_v, rows_v, tab_s, isem, gsems, ssems):
    cid = lax.axis_index("c")
    sid = lax.axis_index("s")
    wid = sid * _NC + cid
    base = wid * _B_PER_W

    icopy = pltpu.async_copy(
        labels_hbm.at[pl.ds(wid * _NCHUNK, _NCHUNK)], idx_v, isem
    )

    start = pl.multiple_of(sid * _ROWS_PER_SUB, _ROWS_PER_SUB)

    @pl.when(sid < _NS - 1)
    def _():
        pltpu.sync_copy(
            table_hbm.at[pl.ds(start, _ROWS_PER_SUB)],
            tab_s.at[pl.ds(start, _ROWS_PER_SUB)],
        )

    @pl.when(sid == _NS - 1)
    def _():
        tail = (_NS - 1) * _ROWS_PER_SUB
        pltpu.sync_copy(
            table_hbm.at[pl.ds(tail, _V - tail)],
            tab_s.at[pl.ds(tail, _V - tail)],
        )

    plsc.subcore_barrier()

    icopy.wait()
    gathers = [
        pltpu.async_copy(
            tab_s.at[idx_v.at[j]],
            rows_v.at[pl.ds(j * _CHUNK, _CHUNK)],
            gsems.at[j],
        )
        for j in range(_NCHUNK)
    ]
    stores = []
    for j in range(_NCHUNK):
        gathers[j].wait()
        stores.append(
            pltpu.async_copy(
                rows_v.at[pl.ds(j * _CHUNK, _CHUNK)],
                out_hbm.at[pl.ds(base + j * _CHUNK, _CHUNK)],
                ssems.at[j],
            )
        )
    for s in stores:
        s.wait()


@jax.jit
def _embed(labels2d, table):
    mesh = plsc.VectorSubcoreMesh(core_axis_name="c", subcore_axis_name="s")
    run = pl.kernel(
        _gather_body,
        out_type=jax.ShapeDtypeStruct((_B, _D), jnp.float32),
        mesh=mesh,
        scratch_types=[
            pltpu.VMEM((_NCHUNK, _CHUNK), jnp.int32),
            pltpu.VMEM((_B_PER_W, _D), jnp.float32),
            pltpu.VMEM_SHARED((_V, _D), jnp.float32),
            pltpu.SemaphoreType.DMA,
            pltpu.SemaphoreType.DMA((_NCHUNK,)),
            pltpu.SemaphoreType.DMA((_NCHUNK,)),
        ],
    )
    return run(labels2d, table)


def kernel(labels, train, table):
    del train
    labels2d = labels.astype(jnp.int32).reshape(_B // _CHUNK, _CHUNK)
    return _embed(labels2d, table)

# --- scband reference (transcript-rebuilt; emitter-appended) ---
"""Pipeline reference for scband-label-embedder-29033978921494 (READ-ONLY COPY).

The authoritative reference and input builder live on the scoring server;
editing this copy changes nothing except your own understanding.
"""

import jax, jax.numpy as jnp
import numpy as np


def setup_inputs(seed: int = 0) -> dict:
    key = jax.random.key(seed)
    k1, k2 = jax.random.split(key)
    labels = jax.random.randint(k1, (16384,), 0, 1000, dtype=jnp.int64 if jax.config.jax_enable_x64 else jnp.int32)
    # embedding table: (num_classes + use_cfg_embedding, hidden_size) = (1001, 128)
    table = jax.random.normal(k2, (1001, 128), dtype=jnp.float32)
    train = 0
    return {"labels": labels, "train": train, "table": table}


def reference(labels, train, table):
    # LabelEmbedder.forward: self.embedding_table(labels)
    # train / force_drop_ids unused in this forward path
    return jnp.take(table, labels, axis=0)

if __name__ == "__main__":
    import jax
    _d = setup_inputs()
    print(jax.jit(kernel)(*tuple(_d.values())))

</pallas_src>

<mosaic_0001>
#map = affine_map<(d0, d1) -> (0, 0)>
module attributes {stable_mosaic.version = 14 : i64} {
  func.func @_gather_body(%arg0: i32, %arg1: i32, %arg2: memref<256x64xi32, #tpu.memory_space<hbm>>, %arg3: memref<1001x128xf32, #tpu.memory_space<hbm>>, %arg4: memref<16384x128xf32, #tpu.memory_space<hbm>>, %arg5: memref<8x64xi32, #tpu.memory_space<vmem>>, %arg6: memref<512x128xf32, #tpu.memory_space<vmem>>, %arg7: memref<1001x128xf32, #tpu.memory_space<vmem_shared>>, %arg8: memref<!tpu.dma_semaphore, #tpu.memory_space<semaphore_mem>>, %arg9: memref<8x!tpu.dma_semaphore, #tpu.memory_space<semaphore_mem>>, %arg10: memref<8x!tpu.dma_semaphore, #tpu.memory_space<semaphore_mem>>) attributes {dimension_semantics = [#tpu.dimension_semantics<core_parallel>, #tpu.dimension_semantics<subcore_parallel>], iteration_bounds = array<i64: 2, 16>, scalar_prefetch = 0 : i64, scratch_operands = 6 : i64, tpu.core_type = #tpu.core_type<sc_vector_subcore>, window_params = [{transform_indices = #map}, {transform_indices = #map}, {transform_indices = #map}]} {
    %mul3A = arith.constant 2 : i32
    %mul3A_0 = arith.muli %arg1, %mul3A : i32
    %add3A = arith.addi %mul3A_0, %arg0 : i32
    %mul3A_1 = arith.constant 512 : i32
    %mul3A_2 = arith.muli %add3A, %mul3A_1 : i32
    %mul3A_3 = arith.constant 8 : i32
    %mul3A_4 = arith.muli %add3A, %mul3A_3 : i32
    %dma_start3A = arith.constant 0 : i32
    %dma_start3A_5 = tpu.memref_slice %arg2[%mul3A_4, %dma_start3A] : memref<256x64xi32, #tpu.memory_space<hbm>> -> memref<8x64xi32, #tpu.memory_space<hbm>>
    %dma_start3A_6 = arith.constant 0 : i32
    %dma_start3A_7 = tpu.memref_slice %arg2[%mul3A_4, %dma_start3A_6] : memref<256x64xi32, #tpu.memory_space<hbm>> -> memref<8x64xi32, #tpu.memory_space<hbm>>
    tpu.enqueue_dma source(%dma_start3A_7 : memref<8x64xi32, #tpu.memory_space<hbm>>) target(%arg5 : memref<8x64xi32, #tpu.memory_space<vmem>>) target_semaphore(%arg8 : memref<!tpu.dma_semaphore, #tpu.memory_space<semaphore_mem>>)
    %mul3A_8 = arith.constant 64 : i32
    %mul3A_9 = arith.muli %arg1, %mul3A_8 : i32
    %multiple_of3A = tpu.assume_multiple %mul3A_9, 64 : i32
    %lt3A = arith.constant 15 : i32
    %lt3A_10 = arith.cmpi slt, %arg1, %lt3A : i32
    %convert_element_type3A = arith.extui %lt3A_10 : i1 to i32
    %cond3A = arith.constant 0 : i32
    %cond3A_11 = arith.cmpi ne, %convert_element_type3A, %cond3A : i32
    scf.if %cond3A_11 {
      "tpu.region"() ({
        %run_scoped3A = tpu.sem_alloc : memref<!tpu.dma_semaphore, #tpu.memory_space<semaphore_mem>>
        %dma_start3A_451 = arith.constant 0 : i32
        %dma_start3A_452 = tpu.memref_slice %arg7[%multiple_of3A, %dma_start3A_451] : memref<1001x128xf32, #tpu.memory_space<vmem_shared>> -> memref<64x128xf32, #tpu.memory_space<vmem_shared>>
        %dma_start3A_453 = arith.constant 0 : i32
        %dma_start3A_454 = tpu.memref_slice %arg3[%multiple_of3A, %dma_start3A_453] : memref<1001x128xf32, #tpu.memory_space<hbm>> -> memref<64x128xf32, #tpu.memory_space<hbm>>
        tpu.enqueue_dma source(%dma_start3A_454 : memref<64x128xf32, #tpu.memory_space<hbm>>) target(%dma_start3A_452 : memref<64x128xf32, #tpu.memory_space<vmem_shared>>) target_semaphore(%run_scoped3A : memref<!tpu.dma_semaphore, #tpu.memory_space<semaphore_mem>>)
        %dma_wait3A_455 = arith.constant 0 : i32
        %dma_wait3A_456 = tpu.memref_slice %arg7[%multiple_of3A, %dma_wait3A_455] : memref<1001x128xf32, #tpu.memory_space<vmem_shared>> -> memref<64x128xf32, #tpu.memory_space<vmem_shared>>
        %dma_wait3A_457 = arith.constant 0 : i32
        %dma_wait3A_458 = tpu.memref_slice %arg3[%multiple_of3A, %dma_wait3A_457] : memref<1001x128xf32, #tpu.memory_space<hbm>> -> memref<64x128xf32, #tpu.memory_space<hbm>>
        tpu.wait_dma2 semaphore(%run_scoped3A : memref<!tpu.dma_semaphore, #tpu.memory_space<semaphore_mem>>) src(%dma_wait3A_458 : memref<64x128xf32, #tpu.memory_space<hbm>>) dst(%dma_wait3A_456 : memref<64x128xf32, #tpu.memory_space<vmem_shared>>)
        tpu.yield
      }) : () -> ()
    } else {
    }
    %eq3A = arith.constant 15 : i32
    %eq3A_12 = arith.cmpi eq, %arg1, %eq3A : i32
    %convert_element_type3A_13 = arith.extui %eq3A_12 : i1 to i32
    %cond3A_14 = arith.constant 0 : i32
    %cond3A_15 = arith.cmpi ne, %convert_element_type3A_13, %cond3A_14 : i32
    scf.if %cond3A_15 {
      "tpu.region"() ({
        %run_scoped3A = tpu.sem_alloc : memref<!tpu.dma_semaphore, #tpu.memory_space<semaphore_mem>>
        %dma_start3A_451 = arith.constant 960 : i32
        %dma_start3A_452 = arith.constant 0 : i32
        %dma_start3A_453 = tpu.memref_slice %arg7[%dma_start3A_451, %dma_start3A_452] : memref<1001x128xf32, #tpu.memory_space<vmem_shared>> -> memref<41x128xf32, #tpu.memory_space<vmem_shared>>
        %dma_start3A_454 = arith.constant 960 : i32
        %dma_start3A_455 = arith.constant 0 : i32
        %dma_start3A_456 = tpu.memref_slice %arg3[%dma_start3A_454, %dma_start3A_455] : memref<1001x128xf32, #tpu.memory_space<hbm>> -> memref<41x128xf32, #tpu.memory_space<hbm>>
        tpu.enqueue_dma source(%dma_start3A_456 : memref<41x128xf32, #tpu.memory_space<hbm>>) target(%dma_start3A_453 : memref<41x128xf32, #tpu.memory_space<vmem_shared>>) target_semaphore(%run_scoped3A : memref<!tpu.dma_semaphore, #tpu.memory_space<semaphore_mem>>)
        %dma_wait3A_457 = arith.constant 960 : i32
        %dma_wait3A_458 = arith.constant 0 : i32
        %dma_wait3A_459 = tpu.memref_slice %arg7[%dma_wait3A_457, %dma_wait3A_458] : memref<1001x128xf32, #tpu.memory_space<vmem_shared>> -> memref<41x128xf32, #tpu.memory_space<vmem_shared>>
        %dma_wait3A_460 = arith.constant 960 : i32
        %dma_wait3A_461 = arith.constant 0 : i32
        %dma_wait3A_462 = tpu.memref_slice %arg3[%dma_wait3A_460, %dma_wait3A_461] : memref<1001x128xf32, #tpu.memory_space<hbm>> -> memref<41x128xf32, #tpu.memory_space<hbm>>
        tpu.wait_dma2 semaphore(%run_scoped3A : memref<!tpu.dma_semaphore, #tpu.memory_space<semaphore_mem>>) src(%dma_wait3A_462 : memref<41x128xf32, #tpu.memory_space<hbm>>) dst(%dma_wait3A_459 : memref<41x128xf32, #tpu.memory_space<vmem_shared>>)
        tpu.yield
      }) : () -> ()
    } else {
    }
    %barrier3A = arith.constant 0 : index
    tpu.barrier barrier_id(%barrier3A)
    %dma_wait3A = arith.constant 0 : i32
    %dma_wait3A_16 = tpu.memref_slice %arg2[%mul3A_4, %dma_wait3A] : memref<256x64xi32, #tpu.memory_space<hbm>> -> memref<8x64xi32, #tpu.memory_space<hbm>>
    %dma_wait3A_17 = arith.constant 0 : i32
    %dma_wait3A_18 = tpu.memref_slice %arg2[%mul3A_4, %dma_wait3A_17] : memref<256x64xi32, #tpu.memory_space<hbm>> -> memref<8x64xi32, #tpu.memory_space<hbm>>
    tpu.wait_dma2 semaphore(%arg8 : memref<!tpu.dma_semaphore, #tpu.memory_space<semaphore_mem>>) src(%dma_wait3A_18 : memref<8x64xi32, #tpu.memory_space<hbm>>) dst(%arg5 : memref<8x64xi32, #tpu.memory_space<vmem>>)
    %dma_start3A_19 = arith.constant 0 : i32
    %dma_start3A_20 = arith.constant 0 : i32
    %dma_start3A_21 = arith.constant 0 : i32
    %dma_start3A_22 = arith.constant 0 : i32
    %dma_start3A_23 = tpu.memref_slice %arg6[%dma_start3A_21, %dma_start3A_22] : memref<512x128xf32, #tpu.memory_space<vmem>> -> memref<64x128xf32, #tpu.memory_space<vmem>>
    %dma_start3A_24 = arith.constant 0 : i32
    %dma_start3A_25 = tpu.memref_slice %arg5[%dma_start3A_19, %dma_start3A_24] : memref<8x64xi32, #tpu.memory_space<vmem>> -> memref<1x64xi32, #tpu.memory_space<vmem>>
    %dma_start3A_26 = tpu.memref_squeeze %dma_start3A_25 : memref<1x64xi32, #tpu.memory_space<vmem>> -> memref<64xi32, #tpu.memory_space<vmem>>
    %dma_start3A_27 = arith.constant 0 : i32
    %dma_start3A_28 = arith.constant 0 : i32
    %dma_start3A_29 = tpu.memref_slice %arg7[%dma_start3A_27, %dma_start3A_28] : memref<1001x128xf32, #tpu.memory_space<vmem_shared>> -> memref<1001x128xf32, #tpu.memory_space<vmem_shared>>
    %dma_start3A_30 = tpu.memref_slice %arg9[%dma_start3A_20] : memref<8x!tpu.dma_semaphore, #tpu.memory_space<semaphore_mem>> -> memref<1x!tpu.dma_semaphore, #tpu.memory_space<semaphore_mem>>
    %dma_start3A_31 = tpu.memref_squeeze %dma_start3A_30 : memref<1x!tpu.dma_semaphore, #tpu.memory_space<semaphore_mem>> -> memref<!tpu.dma_semaphore, #tpu.memory_space<semaphore_mem>>
    tpu.enqueue_indirect_dma source(%dma_start3A_29 : memref<1001x128xf32, #tpu.memory_space<vmem_shared>>) target(%dma_start3A_23 : memref<64x128xf32, #tpu.memory_space<vmem>>) offsets(%dma_start3A_26 : memref<64xi32, #tpu.memory_space<vmem>>) semaphore(%dma_start3A_31 : memref<!tpu.dma_semaphore, #tpu.memory_space<semaphore_mem>>)
    %dma_start3A_32 = arith.constant 1 : i32
    %dma_start3A_33 = arith.constant 1 : i32
    %dma_start3A_34 = arith.constant 64 : i32
    %dma_start3A_35 = arith.constant 0 : i32
    %dma_start3A_36 = tpu.memref_slice %arg6[%dma_start3A_34, %dma_start3A_35] : memref<512x128xf32, #tpu.memory_space<vmem>> -> memref<64x128xf32, #tpu.memory_space<vmem>>
    %dma_start3A_37 = arith.constant 0 : i32
    %dma_start3A_38 = tpu.memref_slice %arg5[%dma_start3A_32, %dma_start3A_37] : memref<8x64xi32, #tpu.memory_space<vmem>> -> memref<1x64xi32, #tpu.memory_space<vmem>>
    %dma_start3A_39 = tpu.memref_squeeze %dma_start3A_38 : memref<1x64xi32, #tpu.memory_space<vmem>> -> memref<64xi32, #tpu.memory_space<vmem>>
    %dma_start3A_40 = arith.constant 0 : i32
    %dma_start3A_41 = arith.constant 0 : i32
    %dma_start3A_42 = tpu.memref_slice %arg7[%dma_start3A_40, %dma_start3A_41] : memref<1001x128xf32, #tpu.memory_space<vmem_shared>> -> memref<1001x128xf32, #tpu.memory_space<vmem_shared>>
    %dma_start3A_43 = tpu.memref_slice %arg9[%dma_start3A_33] : memref<8x!tpu.dma_semaphore, #tpu.memory_space<semaphore_mem>> -> memref<1x!tpu.dma_semaphore, #tpu.memory_space<semaphore_mem>>
    %dma_start3A_44 = tpu.memref_squeeze %dma_start3A_43 : memref<1x!tpu.dma_semaphore, #tpu.memory_space<semaphore_mem>> -> memref<!tpu.dma_semaphore, #tpu.memory_space<semaphore_mem>>
    tpu.enqueue_indirect_dma source(%dma_start3A_42 : memref<1001x128xf32, #tpu.memory_space<vmem_shared>>) target(%dma_start3A_36 : memref<64x128xf32, #tpu.memory_space<vmem>>) offsets(%dma_start3A_39 : memref<64xi32, #tpu.memory_space<vmem>>) semaphore(%dma_start3A_44 : memref<!tpu.dma_semaphore, #tpu.memory_space<semaphore_mem>>)
    %dma_start3A_45 = arith.constant 2 : i32
    %dma_start3A_46 = arith.constant 2 : i32
    %dma_start3A_47 = arith.constant 128 : i32
    %dma_start3A_48 = arith.constant 0 : i32
    %dma_start3A_49 = tpu.memref_slice %arg6[%dma_start3A_47, %dma_start3A_48] : memref<512x128xf32, #tpu.memory_space<vmem>> -> memref<64x128xf32, #tpu.memory_space<vmem>>
    %dma_start3A_50 = arith.constant 0 : i32
    %dma_start3A_51 = tpu.memref_slice %arg5[%dma_start3A_45, %dma_start3A_50] : memref<8x64xi32, #tpu.memory_space<vmem>> -> memref<1x64xi32, #tpu.memory_space<vmem>>
    %dma_start3A_52 = tpu.memref_squeeze %dma_start3A_51 : memref<1x64xi32, #tpu.memory_space<vmem>> -> memref<64xi32, #tpu.memory_space<vmem>>
    %dma_start3A_53 = arith.constant 0 : i32
    %dma_start3A_54 = arith.constant 0 : i32
    %dma_start3A_55 = tpu.memref_slice %arg7[%dma_start3A_53, %dma_start3A_54] : memref<1001x128xf32, #tpu.memory_space<vmem_shared>> -> memref<1001x128xf32, #tpu.memory_space<vmem_shared>>
    %dma_start3A_56 = tpu.memref_slice %arg9[%dma_start3A_46] : memref<8x!tpu.dma_semaphore, #tpu.memory_space<semaphore_mem>> -> memref<1x!tpu.dma_semaphore, #tpu.memory_space<semaphore_mem>>
    %dma_start3A_57 = tpu.memref_squeeze %dma_start3A_56 : memref<1x!tpu.dma_semaphore, #tpu.memory_space<semaphore_mem>> -> memref<!tpu.dma_semaphore, #tpu.memory_space<semaphore_mem>>
    tpu.enqueue_indirect_dma source(%dma_start3A_55 : memref<1001x128xf32, #tpu.memory_space<vmem_shared>>) target(%dma_start3A_49 : memref<64x128xf32, #tpu.memory_space<vmem>>) offsets(%dma_start3A_52 : memref<64xi32, #tpu.memory_space<vmem>>) semaphore(%dma_start3A_57 : memref<!tpu.dma_semaphore, #tpu.memory_space<semaphore_mem>>)
    %dma_start3A_58 = arith.constant 3 : i32
    %dma_start3A_59 = arith.constant 3 : i32
    %dma_start3A_60 = arith.constant 192 : i32
    %dma_start3A_61 = arith.constant 0 : i32
    %dma_start3A_62 = tpu.memref_slice %arg6[%dma_start3A_60, %dma_start3A_61] : memref<512x128xf32, #tpu.memory_space<vmem>> -> memref<64x128xf32, #tpu.memory_space<vmem>>
    %dma_start3A_63 = arith.constant 0 : i32
    %dma_start3A_64 = tpu.memref_slice %arg5[%dma_start3A_58, %dma_start3A_63] : memref<8x64xi32, #tpu.memory_space<vmem>> -> memref<1x64xi32, #tpu.memory_space<vmem>>
    %dma_start3A_65 = tpu.memref_squeeze %dma_start3A_64 : memref<1x64xi32, #tpu.memory_space<vmem>> -> memref<64xi32, #tpu.memory_space<vmem>>
    %dma_start3A_66 = arith.constant 0 : i32
    %dma_start3A_67 = arith.constant 0 : i32
    %dma_start3A_68 = tpu.memref_slice %arg7[%dma_start3A_66, %dma_start3A_67] : memref<1001x128xf32, #tpu.memory_space<vmem_shared>> -> memref<1001x128xf32, #tpu.memory_space<vmem_shared>>
    %dma_start3A_69 = tpu.memref_slice %arg9[%dma_start3A_59] : memref<8x!tpu.dma_semaphore, #tpu.memory_space<semaphore_mem>> -> memref<1x!tpu.dma_semaphore, #tpu.memory_space<semaphore_mem>>
    %dma_start3A_70 = tpu.memref_squeeze %dma_start3A_69 : memref<1x!tpu.dma_semaphore, #tpu.memory_space<semaphore_mem>> -> memref<!tpu.dma_semaphore, #tpu.memory_space<semaphore_mem>>
    tpu.enqueue_indirect_dma source(%dma_start3A_68 : memref<1001x128xf32, #tpu.memory_space<vmem_shared>>) target(%dma_start3A_62 : memref<64x128xf32, #tpu.memory_space<vmem>>) offsets(%dma_start3A_65 : memref<64xi32, #tpu.memory_space<vmem>>) semaphore(%dma_start3A_70 : memref<!tpu.dma_semaphore, #tpu.memory_space<semaphore_mem>>)
    %dma_start3A_71 = arith.constant 4 : i32
    %dma_start3A_72 = arith.constant 4 : i32
    %dma_start3A_73 = arith.constant 256 : i32
    %dma_start3A_74 = arith.constant 0 : i32
    %dma_start3A_75 = tpu.memref_slice %arg6[%dma_start3A_73, %dma_start3A_74] : memref<512x128xf32, #tpu.memory_space<vmem>> -> memref<64x128xf32, #tpu.memory_space<vmem>>
    %dma_start3A_76 = arith.constant 0 : i32
    %dma_start3A_77 = tpu.memref_slice %arg5[%dma_start3A_71, %dma_start3A_76] : memref<8x64xi32, #tpu.memory_space<vmem>> -> memref<1x64xi32, #tpu.memory_space<vmem>>
    %dma_start3A_78 = tpu.memref_squeeze %dma_start3A_77 : memref<1x64xi32, #tpu.memory_space<vmem>> -> memref<64xi32, #tpu.memory_space<vmem>>
    %dma_start3A_79 = arith.constant 0 : i32
    %dma_start3A_80 = arith.constant 0 : i32
    %dma_start3A_81 = tpu.memref_slice %arg7[%dma_start3A_79, %dma_start3A_80] : memref<1001x128xf32, #tpu.memory_space<vmem_shared>> -> memref<1001x128xf32, #tpu.memory_space<vmem_shared>>
    %dma_start3A_82 = tpu.memref_slice %arg9[%dma_start3A_72] : memref<8x!tpu.dma_semaphore, #tpu.memory_space<semaphore_mem>> -> memref<1x!tpu.dma_semaphore, #tpu.memory_space<semaphore_mem>>
    %dma_start3A_83 = tpu.memref_squeeze %dma_start3A_82 : memref<1x!tpu.dma_semaphore, #tpu.memory_space<semaphore_mem>> -> memref<!tpu.dma_semaphore, #tpu.memory_space<semaphore_mem>>
    tpu.enqueue_indirect_dma source(%dma_start3A_81 : memref<1001x128xf32, #tpu.memory_space<vmem_shared>>) target(%dma_start3A_75 : memref<64x128xf32, #tpu.memory_space<vmem>>) offsets(%dma_start3A_78 : memref<64xi32, #tpu.memory_space<vmem>>) semaphore(%dma_start3A_83 : memref<!tpu.dma_semaphore, #tpu.memory_space<semaphore_mem>>)
    %dma_start3A_84 = arith.constant 5 : i32
    %dma_start3A_85 = arith.constant 5 : i32
    %dma_start3A_86 = arith.constant 320 : i32
    %dma_start3A_87 = arith.constant 0 : i32
    %dma_start3A_88 = tpu.memref_slice %arg6[%dma_start3A_86, %dma_start3A_87] : memref<512x128xf32, #tpu.memory_space<vmem>> -> memref<64x128xf32, #tpu.memory_space<vmem>>
    %dma_start3A_89 = arith.constant 0 : i32
    %dma_start3A_90 = tpu.memref_slice %arg5[%dma_start3A_84, %dma_start3A_89] : memref<8x64xi32, #tpu.memory_space<vmem>> -> memref<1x64xi32, #tpu.memory_space<vmem>>
    %dma_start3A_91 = tpu.memref_squeeze %dma_start3A_90 : memref<1x64xi32, #tpu.memory_space<vmem>> -> memref<64xi32, #tpu.memory_space<vmem>>
    %dma_start3A_92 = arith.constant 0 : i32
    %dma_start3A_93 = arith.constant 0 : i32
    %dma_start3A_94 = tpu.memref_slice %arg7[%dma_start3A_92, %dma_start3A_93] : memref<1001x128xf32, #tpu.memory_space<vmem_shared>> -> memref<1001x128xf32, #tpu.memory_space<vmem_shared>>
    %dma_start3A_95 = tpu.memref_slice %arg9[%dma_start3A_85] : memref<8x!tpu.dma_semaphore, #tpu.memory_space<semaphore_mem>> -> memref<1x!tpu.dma_semaphore, #tpu.memory_space<semaphore_mem>>
    %dma_start3A_96 = tpu.memref_squeeze %dma_start3A_95 : memref<1x!tpu.dma_semaphore, #tpu.memory_space<semaphore_mem>> -> memref<!tpu.dma_semaphore, #tpu.memory_space<semaphore_mem>>
    tpu.enqueue_indirect_dma source(%dma_start3A_94 : memref<1001x128xf32, #tpu.memory_space<vmem_shared>>) target(%dma_start3A_88 : memref<64x128xf32, #tpu.memory_space<vmem>>) offsets(%dma_start3A_91 : memref<64xi32, #tpu.memory_space<vmem>>) semaphore(%dma_start3A_96 : memref<!tpu.dma_semaphore, #tpu.memory_space<semaphore_mem>>)
    %dma_start3A_97 = arith.constant 6 : i32
    %dma_start3A_98 = arith.constant 6 : i32
    %dma_start3A_99 = arith.constant 384 : i32
    %dma_start3A_100 = arith.constant 0 : i32
    %dma_start3A_101 = tpu.memref_slice %arg6[%dma_start3A_99, %dma_start3A_100] : memref<512x128xf32, #tpu.memory_space<vmem>> -> memref<64x128xf32, #tpu.memory_space<vmem>>
    %dma_start3A_102 = arith.constant 0 : i32
    %dma_start3A_103 = tpu.memref_slice %arg5[%dma_start3A_97, %dma_start3A_102] : memref<8x64xi32, #tpu.memory_space<vmem>> -> memref<1x64xi32, #tpu.memory_space<vmem>>
    %dma_start3A_104 = tpu.memref_squeeze %dma_start3A_103 : memref<1x64xi32, #tpu.memory_space<vmem>> -> memref<64xi32, #tpu.memory_space<vmem>>
    %dma_start3A_105 = arith.constant 0 : i32
    %dma_start3A_106 = arith.constant 0 : i32
    %dma_start3A_107 = tpu.memref_slice %arg7[%dma_start3A_105, %dma_start3A_106] : memref<1001x128xf32, #tpu.memory_space<vmem_shared>> -> memref<1001x128xf32, #tpu.memory_space<vmem_shared>>
    %dma_start3A_108 = tpu.memref_slice %arg9[%dma_start3A_98] : memref<8x!tpu.dma_semaphore, #tpu.memory_space<semaphore_mem>> -> memref<1x!tpu.dma_semaphore, #tpu.memory_space<semaphore_mem>>
    %dma_start3A_109 = tpu.memref_squeeze %dma_start3A_108 : memref<1x!tpu.dma_semaphore, #tpu.memory_space<semaphore_mem>> -> memref<!tpu.dma_semaphore, #tpu.memory_space<semaphore_mem>>
    tpu.enqueue_indirect_dma source(%dma_start3A_107 : memref<1001x128xf32, #tpu.memory_space<vmem_shared>>) target(%dma_start3A_101 : memref<64x128xf32, #tpu.memory_space<vmem>>) offsets(%dma_start3A_104 : memref<64xi32, #tpu.memory_space<vmem>>) semaphore(%dma_start3A_109 : memref<!tpu.dma_semaphore, #tpu.memory_space<semaphore_mem>>)
    %dma_start3A_110 = arith.constant 7 : i32
    %dma_start3A_111 = arith.constant 7 : i32
    %dma_start3A_112 = arith.constant 448 : i32
    %dma_start3A_113 = arith.constant 0 : i32
    %dma_start3A_114 = tpu.memref_slice %arg6[%dma_start3A_112, %dma_start3A_113] : memref<512x128xf32, #tpu.memory_space<vmem>> -> memref<64x128xf32, #tpu.memory_space<vmem>>
    %dma_start3A_115 = arith.constant 0 : i32
    %dma_start3A_116 = tpu.memref_slice %arg5[%dma_start3A_110, %dma_start3A_115] : memref<8x64xi32, #tpu.memory_space<vmem>> -> memref<1x64xi32, #tpu.memory_space<vmem>>
    %dma_start3A_117 = tpu.memref_squeeze %dma_start3A_116 : memref<1x64xi32, #tpu.memory_space<vmem>> -> memref<64xi32, #tpu.memory_space<vmem>>
    %dma_start3A_118 = arith.constant 0 : i32
    %dma_start3A_119 = arith.constant 0 : i32
    %dma_start3A_120 = tpu.memref_slice %arg7[%dma_start3A_118, %dma_start3A_119] : memref<1001x128xf32, #tpu.memory_space<vmem_shared>> -> memref<1001x128xf32, #tpu.memory_space<vmem_shared>>
    %dma_start3A_121 = tpu.memref_slice %arg9[%dma_start3A_111] : memref<8x!tpu.dma_semaphore, #tpu.memory_space<semaphore_mem>> -> memref<1x!tpu.dma_semaphore, #tpu.memory_space<semaphore_mem>>
    %dma_start3A_122 = tpu.memref_squeeze %dma_start3A_121 : memref<1x!tpu.dma_semaphore, #tpu.memory_space<semaphore_mem>> -> memref<!tpu.dma_semaphore, #tpu.memory_space<semaphore_mem>>
    tpu.enqueue_indirect_dma source(%dma_start3A_120 : memref<1001x128xf32, #tpu.memory_space<vmem_shared>>) target(%dma_start3A_114 : memref<64x128xf32, #tpu.memory_space<vmem>>) offsets(%dma_start3A_117 : memref<64xi32, #tpu.memory_space<vmem>>) semaphore(%dma_start3A_122 : memref<!tpu.dma_semaphore, #tpu.memory_space<semaphore_mem>>)
    %dma_wait3A_123 = arith.constant 0 : i32
    %dma_wait3A_124 = arith.constant 0 : i32
    %dma_wait3A_125 = arith.constant 0 : i32
    %dma_wait3A_126 = arith.constant 0 : i32
    %dma_wait3A_127 = tpu.memref_slice %arg6[%dma_wait3A_125, %dma_wait3A_126] : memref<512x128xf32, #tpu.memory_space<vmem>> -> memref<64x128xf32, #tpu.memory_space<vmem>>
    %dma_wait3A_128 = arith.constant 0 : i32
    %dma_wait3A_129 = tpu.memref_slice %arg5[%dma_wait3A_123, %dma_wait3A_128] : memref<8x64xi32, #tpu.memory_space<vmem>> -> memref<1x64xi32, #tpu.memory_space<vmem>>
    %dma_wait3A_130 = tpu.memref_squeeze %dma_wait3A_129 : memref<1x64xi32, #tpu.memory_space<vmem>> -> memref<64xi32, #tpu.memory_space<vmem>>
    %dma_wait3A_131 = arith.constant 0 : i32
    %dma_wait3A_132 = arith.constant 0 : i32
    %dma_wait3A_133 = tpu.memref_slice %arg7[%dma_wait3A_131, %dma_wait3A_132] : memref<1001x128xf32, #tpu.memory_space<vmem_shared>> -> memref<1001x128xf32, #tpu.memory_space<vmem_shared>>
    %dma_wait3A_134 = tpu.memref_slice %arg9[%dma_wait3A_124] : memref<8x!tpu.dma_semaphore, #tpu.memory_space<semaphore_mem>> -> memref<1x!tpu.dma_semaphore, #tpu.memory_space<semaphore_mem>>
    %dma_wait3A_135 = tpu.memref_squeeze %dma_wait3A_134 : memref<1x!tpu.dma_semaphore, #tpu.memory_space<semaphore_mem>> -> memref<!tpu.dma_semaphore, #tpu.memory_space<semaphore_mem>>
    tpu.wait_indirect_dma semaphore(%dma_wait3A_135 : memref<!tpu.dma_semaphore, #tpu.memory_space<semaphore_mem>>) src(%dma_wait3A_133 : memref<1001x128xf32, #tpu.memory_space<vmem_shared>>) dst(%dma_wait3A_127 : memref<64x128xf32, #tpu.memory_space<vmem>>)
    %add3A_136 = arith.constant 0 : i32
    %add3A_137 = arith.addi %mul3A_2, %add3A_136 : i32
    %dma_start3A_138 = arith.constant 0 : i32
    %dma_start3A_139 = arith.constant 0 : i32
    %dma_start3A_140 = arith.constant 0 : i32
    %dma_start3A_141 = tpu.memref_slice %arg6[%dma_start3A_139, %dma_start3A_140] : memref<512x128xf32, #tpu.memory_space<vmem>> -> memref<64x128xf32, #tpu.memory_space<vmem>>
    %dma_start3A_142 = arith.constant 0 : i32
    %dma_start3A_143 = tpu.memref_slice %arg4[%add3A_137, %dma_start3A_142] : memref<16384x128xf32, #tpu.memory_space<hbm>> -> memref<64x128xf32, #tpu.memory_space<hbm>>
    %dma_start3A_144 = tpu.memref_slice %arg10[%dma_start3A_138] : memref<8x!tpu.dma_semaphore, #tpu.memory_space<semaphore_mem>> -> memref<1x!tpu.dma_semaphore, #tpu.memory_space<semaphore_mem>>
    %dma_start3A_145 = tpu.memref_squeeze %dma_start3A_144 : memref<1x!tpu.dma_semaphore, #tpu.memory_space<semaphore_mem>> -> memref<!tpu.dma_semaphore, #tpu.memory_space<semaphore_mem>>
    %dma_start3A_146 = arith.constant 0 : i32
    %dma_start3A_147 = tpu.memref_slice %arg4[%add3A_137, %dma_start3A_146] : memref<16384x128xf32, #tpu.memory_space<hbm>> -> memref<64x128xf32, #tpu.memory_space<hbm>>
    %dma_start3A_148 = arith.constant 0 : i32
    %dma_start3A_149 = arith.constant 0 : i32
    %dma_start3A_150 = tpu.memref_slice %arg6[%dma_start3A_148, %dma_start3A_149] : memref<512x128xf32, #tpu.memory_space<vmem>> -> memref<64x128xf32, #tpu.memory_space<vmem>>
    tpu.enqueue_dma source(%dma_start3A_150 : memref<64x128xf32, #tpu.memory_space<vmem>>) target(%dma_start3A_147 : memref<64x128xf32, #tpu.memory_space<hbm>>) target_semaphore(%dma_start3A_145 : memref<!tpu.dma_semaphore, #tpu.memory_space<semaphore_mem>>)
    %dma_wait3A_151 = arith.constant 1 : i32
    %dma_wait3A_152 = arith.constant 1 : i32
    %dma_wait3A_153 = arith.constant 64 : i32
    %dma_wait3A_154 = arith.constant 0 : i32
    %dma_wait3A_155 = tpu.memref_slice %arg6[%dma_wait3A_153, %dma_wait3A_154] : memref<512x128xf32, #tpu.memory_space<vmem>> -> memref<64x128xf32, #tpu.memory_space<vmem>>
    %dma_wait3A_156 = arith.constant 0 : i32
    %dma_wait3A_157 = tpu.memref_slice %arg5[%dma_wait3A_151, %dma_wait3A_156] : memref<8x64xi32, #tpu.memory_space<vmem>> -> memref<1x64xi32, #tpu.memory_space<vmem>>
    %dma_wait3A_158 = tpu.memref_squeeze %dma_wait3A_157 : memref<1x64xi32, #tpu.memory_space<vmem>> -> memref<64xi32, #tpu.memory_space<vmem>>
    %dma_wait3A_159 = arith.constant 0 : i32
    %dma_wait3A_160 = arith.constant 0 : i32
    %dma_wait3A_161 = tpu.memref_slice %arg7[%dma_wait3A_159, %dma_wait3A_160] : memref<1001x128xf32, #tpu.memory_space<vmem_shared>> -> memref<1001x128xf32, #tpu.memory_space<vmem_shared>>
    %dma_wait3A_162 = tpu.memref_slice %arg9[%dma_wait3A_152] : memref<8x!tpu.dma_semaphore, #tpu.memory_space<semaphore_mem>> -> memref<1x!tpu.dma_semaphore, #tpu.memory_space<semaphore_mem>>
    %dma_wait3A_163 = tpu.memref_squeeze %dma_wait3A_162 : memref<1x!tpu.dma_semaphore, #tpu.memory_space<semaphore_mem>> -> memref<!tpu.dma_semaphore, #tpu.memory_space<semaphore_mem>>
    tpu.wait_indirect_dma semaphore(%dma_wait3A_163 : memref<!tpu.dma_semaphore, #tpu.memory_space<semaphore_mem>>) src(%dma_wait3A_161 : memref<1001x128xf32, #tpu.memory_space<vmem_shared>>) dst(%dma_wait3A_155 : memref<64x128xf32, #tpu.memory_space<vmem>>)
    %add3A_164 = arith.constant 64 : i32
    %add3A_165 = arith.addi %mul3A_2, %add3A_164 : i32
    %dma_start3A_166 = arith.constant 1 : i32
    %dma_start3A_167 = arith.constant 64 : i32
    %dma_start3A_168 = arith.constant 0 : i32
    %dma_start3A_169 = tpu.memref_slice %arg6[%dma_start3A_167, %dma_start3A_168] : memref<512x128xf32, #tpu.memory_space<vmem>> -> memref<64x128xf32, #tpu.memory_space<vmem>>
    %dma_start3A_170 = arith.constant 0 : i32
    %dma_start3A_171 = tpu.memref_slice %arg4[%add3A_165, %dma_start3A_170] : memref<16384x128xf32, #tpu.memory_space<hbm>> -> memref<64x128xf32, #tpu.memory_space<hbm>>
    %dma_start3A_172 = tpu.memref_slice %arg10[%dma_start3A_166] : memref<8x!tpu.dma_semaphore, #tpu.memory_space<semaphore_mem>> -> memref<1x!tpu.dma_semaphore, #tpu.memory_space<semaphore_mem>>
    %dma_start3A_173 = tpu.memref_squeeze %dma_start3A_172 : memref<1x!tpu.dma_semaphore, #tpu.memory_space<semaphore_mem>> -> memref<!tpu.dma_semaphore, #tpu.memory_space<semaphore_mem>>
    %dma_start3A_174 = arith.constant 0 : i32
    %dma_start3A_175 = tpu.memref_slice %arg4[%add3A_165, %dma_start3A_174] : memref<16384x128xf32, #tpu.memory_space<hbm>> -> memref<64x128xf32, #tpu.memory_space<hbm>>
    %dma_start3A_176 = arith.constant 64 : i32
    %dma_start3A_177 = arith.constant 0 : i32
    %dma_start3A_178 = tpu.memref_slice %arg6[%dma_start3A_176, %dma_start3A_177] : memref<512x128xf32, #tpu.memory_space<vmem>> -> memref<64x128xf32, #tpu.memory_space<vmem>>
    tpu.enqueue_dma source(%dma_start3A_178 : memref<64x128xf32, #tpu.memory_space<vmem>>) target(%dma_start3A_175 : memref<64x128xf32, #tpu.memory_space<hbm>>) target_semaphore(%dma_start3A_173 : memref<!tpu.dma_semaphore, #tpu.memory_space<semaphore_mem>>)
    %dma_wait3A_179 = arith.constant 2 : i32
    %dma_wait3A_180 = arith.constant 2 : i32
    %dma_wait3A_181 = arith.constant 128 : i32
    %dma_wait3A_182 = arith.constant 0 : i32
    %dma_wait3A_183 = tpu.memref_slice %arg6[%dma_wait3A_181, %dma_wait3A_182] : memref<512x128xf32, #tpu.memory_space<vmem>> -> memref<64x128xf32, #tpu.memory_space<vmem>>
    %dma_wait3A_184 = arith.constant 0 : i32
    %dma_wait3A_185 = tpu.memref_slice %arg5[%dma_wait3A_179, %dma_wait3A_184] : memref<8x64xi32, #tpu.memory_space<vmem>> -> memref<1x64xi32, #tpu.memory_space<vmem>>
    %dma_wait3A_186 = tpu.memref_squeeze %dma_wait3A_185 : memref<1x64xi32, #tpu.memory_space<vmem>> -> memref<64xi32, #tpu.memory_space<vmem>>
    %dma_wait3A_187 = arith.constant 0 : i32
    %dma_wait3A_188 = arith.constant 0 : i32
    %dma_wait3A_189 = tpu.memref_slice %arg7[%dma_wait3A_187, %dma_wait3A_188] : memref<1001x128xf32, #tpu.memory_space<vmem_shared>> -> memref<1001x128xf32, #tpu.memory_space<vmem_shared>>
    %dma_wait3A_190 = tpu.memref_slice %arg9[%dma_wait3A_180] : memref<8x!tpu.dma_semaphore, #tpu.memory_space<semaphore_mem>> -> memref<1x!tpu.dma_semaphore, #tpu.memory_space<semaphore_mem>>
    %dma_wait3A_191 = tpu.memref_squeeze %dma_wait3A_190 : memref<1x!tpu.dma_semaphore, #tpu.memory_space<semaphore_mem>> -> memref<!tpu.dma_semaphore, #tpu.memory_space<semaphore_mem>>
    tpu.wait_indirect_dma semaphore(%dma_wait3A_191 : memref<!tpu.dma_semaphore, #tpu.memory_space<semaphore_mem>>) src(%dma_wait3A_189 : memref<1001x128xf32, #tpu.memory_space<vmem_shared>>) dst(%dma_wait3A_183 : memref<64x128xf32, #tpu.memory_space<vmem>>)
    %add3A_192 = arith.constant 128 : i32
    %add3A_193 = arith.addi %mul3A_2, %add3A_192 : i32
    %dma_start3A_194 = arith.constant 2 : i32
    %dma_start3A_195 = arith.constant 128 : i32
    %dma_start3A_196 = arith.constant 0 : i32
    %dma_start3A_197 = tpu.memref_slice %arg6[%dma_start3A_195, %dma_start3A_196] : memref<512x128xf32, #tpu.memory_space<vmem>> -> memref<64x128xf32, #tpu.memory_space<vmem>>
    %dma_start3A_198 = arith.constant 0 : i32
    %dma_start3A_199 = tpu.memref_slice %arg4[%add3A_193, %dma_start3A_198] : memref<16384x128xf32, #tpu.memory_space<hbm>> -> memref<64x128xf32, #tpu.memory_space<hbm>>
    %dma_start3A_200 = tpu.memref_slice %arg10[%dma_start3A_194] : memref<8x!tpu.dma_semaphore, #tpu.memory_space<semaphore_mem>> -> memref<1x!tpu.dma_semaphore, #tpu.memory_space<semaphore_mem>>
    %dma_start3A_201 = tpu.memref_squeeze %dma_start3A_200 : memref<1x!tpu.dma_semaphore, #tpu.memory_space<semaphore_mem>> -> memref<!tpu.dma_semaphore, #tpu.memory_space<semaphore_mem>>
    %dma_start3A_202 = arith.constant 0 : i32
    %dma_start3A_203 = tpu.memref_slice %arg4[%add3A_193, %dma_start3A_202] : memref<16384x128xf32, #tpu.memory_space<hbm>> -> memref<64x128xf32, #tpu.memory_space<hbm>>
    %dma_start3A_204 = arith.constant 128 : i32
    %dma_start3A_205 = arith.constant 0 : i32
    %dma_start3A_206 = tpu.memref_slice %arg6[%dma_start3A_204, %dma_start3A_205] : memref<512x128xf32, #tpu.memory_space<vmem>> -> memref<64x128xf32, #tpu.memory_space<vmem>>
    tpu.enqueue_dma source(%dma_start3A_206 : memref<64x128xf32, #tpu.memory_space<vmem>>) target(%dma_start3A_203 : memref<64x128xf32, #tpu.memory_space<hbm>>) target_semaphore(%dma_start3A_201 : memref<!tpu.dma_semaphore, #tpu.memory_space<semaphore_mem>>)
    %dma_wait3A_207 = arith.constant 3 : i32
    %dma_wait3A_208 = arith.constant 3 : i32
    %dma_wait3A_209 = arith.constant 192 : i32
    %dma_wait3A_210 = arith.constant 0 : i32
    %dma_wait3A_211 = tpu.memref_slice %arg6[%dma_wait3A_209, %dma_wait3A_210] : memref<512x128xf32, #tpu.memory_space<vmem>> -> memref<64x128xf32, #tpu.memory_space<vmem>>
    %dma_wait3A_212 = arith.constant 0 : i32
    %dma_wait3A_213 = tpu.memref_slice %arg5[%dma_wait3A_207, %dma_wait3A_212] : memref<8x64xi32, #tpu.memory_space<vmem>> -> memref<1x64xi32, #tpu.memory_space<vmem>>
    %dma_wait3A_214 = tpu.memref_squeeze %dma_wait3A_213 : memref<1x64xi32, #tpu.memory_space<vmem>> -> memref<64xi32, #tpu.memory_space<vmem>>
    %dma_wait3A_215 = arith.constant 0 : i32
    %dma_wait3A_216 = arith.constant 0 : i32
    %dma_wait3A_217 = tpu.memref_slice %arg7[%dma_wait3A_215, %dma_wait3A_216] : memref<1001x128xf32, #tpu.memory_space<vmem_shared>> -> memref<1001x128xf32, #tpu.memory_space<vmem_shared>>
    %dma_wait3A_218 = tpu.memref_slice %arg9[%dma_wait3A_208] : memref<8x!tpu.dma_semaphore, #tpu.memory_space<semaphore_mem>> -> memref<1x!tpu.dma_semaphore, #tpu.memory_space<semaphore_mem>>
    %dma_wait3A_219 = tpu.memref_squeeze %dma_wait3A_218 : memref<1x!tpu.dma_semaphore, #tpu.memory_space<semaphore_mem>> -> memref<!tpu.dma_semaphore, #tpu.memory_space<semaphore_mem>>
    tpu.wait_indirect_dma semaphore(%dma_wait3A_219 : memref<!tpu.dma_semaphore, #tpu.memory_space<semaphore_mem>>) src(%dma_wait3A_217 : memref<1001x128xf32, #tpu.memory_space<vmem_shared>>) dst(%dma_wait3A_211 : memref<64x128xf32, #tpu.memory_space<vmem>>)
    %add3A_220 = arith.constant 192 : i32
    %add3A_221 = arith.addi %mul3A_2, %add3A_220 : i32
    %dma_start3A_222 = arith.constant 3 : i32
    %dma_start3A_223 = arith.constant 192 : i32
    %dma_start3A_224 = arith.constant 0 : i32
    %dma_start3A_225 = tpu.memref_slice %arg6[%dma_start3A_223, %dma_start3A_224] : memref<512x128xf32, #tpu.memory_space<vmem>> -> memref<64x128xf32, #tpu.memory_space<vmem>>
    %dma_start3A_226 = arith.constant 0 : i32
    %dma_start3A_227 = tpu.memref_slice %arg4[%add3A_221, %dma_start3A_226] : memref<16384x128xf32, #tpu.memory_space<hbm>> -> memref<64x128xf32, #tpu.memory_space<hbm>>
    %dma_start3A_228 = tpu.memref_slice %arg10[%dma_start3A_222] : memref<8x!tpu.dma_semaphore, #tpu.memory_space<semaphore_mem>> -> memref<1x!tpu.dma_semaphore, #tpu.memory_space<semaphore_mem>>
    %dma_start3A_229 = tpu.memref_squeeze %dma_start3A_228 : memref<1x!tpu.dma_semaphore, #tpu.memory_space<semaphore_mem>> -> memref<!tpu.dma_semaphore, #tpu.memory_space<semaphore_mem>>
    %dma_start3A_230 = arith.constant 0 : i32
    %dma_start3A_231 = tpu.memref_slice %arg4[%add3A_221, %dma_start3A_230] : memref<16384x128xf32, #tpu.memory_space<hbm>> -> memref<64x128xf32, #tpu.memory_space<hbm>>
    %dma_start3A_232 = arith.constant 192 : i32
    %dma_start3A_233 = arith.constant 0 : i32
    %dma_start3A_234 = tpu.memref_slice %arg6[%dma_start3A_232, %dma_start3A_233] : memref<512x128xf32, #tpu.memory_space<vmem>> -> memref<64x128xf32, #tpu.memory_space<vmem>>
    tpu.enqueue_dma source(%dma_start3A_234 : memref<64x128xf32, #tpu.memory_space<vmem>>) target(%dma_start3A_231 : memref<64x128xf32, #tpu.memory_space<hbm>>) target_semaphore(%dma_start3A_229 : memref<!tpu.dma_semaphore, #tpu.memory_space<semaphore_mem>>)
    %dma_wait3A_235 = arith.constant 4 : i32
    %dma_wait3A_236 = arith.constant 4 : i32
    %dma_wait3A_237 = arith.constant 256 : i32
    %dma_wait3A_238 = arith.constant 0 : i32
    %dma_wait3A_239 = tpu.memref_slice %arg6[%dma_wait3A_237, %dma_wait3A_238] : memref<512x128xf32, #tpu.memory_space<vmem>> -> memref<64x128xf32, #tpu.memory_space<vmem>>
    %dma_wait3A_240 = arith.constant 0 : i32
    %dma_wait3A_241 = tpu.memref_slice %arg5[%dma_wait3A_235, %dma_wait3A_240] : memref<8x64xi32, #tpu.memory_space<vmem>> -> memref<1x64xi32, #tpu.memory_space<vmem>>
    %dma_wait3A_242 = tpu.memref_squeeze %dma_wait3A_241 : memref<1x64xi32, #tpu.memory_space<vmem>> -> memref<64xi32, #tpu.memory_space<vmem>>
    %dma_wait3A_243 = arith.constant 0 : i32
    %dma_wait3A_244 = arith.constant 0 : i32
    %dma_wait3A_245 = tpu.memref_slice %arg7[%dma_wait3A_243, %dma_wait3A_244] : memref<1001x128xf32, #tpu.memory_space<vmem_shared>> -> memref<1001x128xf32, #tpu.memory_space<vmem_shared>>
    %dma_wait3A_246 = tpu.memref_slice %arg9[%dma_wait3A_236] : memref<8x!tpu.dma_semaphore, #tpu.memory_space<semaphore_mem>> -> memref<1x!tpu.dma_semaphore, #tpu.memory_space<semaphore_mem>>
    %dma_wait3A_247 = tpu.memref_squeeze %dma_wait3A_246 : memref<1x!tpu.dma_semaphore, #tpu.memory_space<semaphore_mem>> -> memref<!tpu.dma_semaphore, #tpu.memory_space<semaphore_mem>>
    tpu.wait_indirect_dma semaphore(%dma_wait3A_247 : memref<!tpu.dma_semaphore, #tpu.memory_space<semaphore_mem>>) src(%dma_wait3A_245 : memref<1001x128xf32, #tpu.memory_space<vmem_shared>>) dst(%dma_wait3A_239 : memref<64x128xf32, #tpu.memory_space<vmem>>)
    %add3A_248 = arith.constant 256 : i32
    %add3A_249 = arith.addi %mul3A_2, %add3A_248 : i32
    %dma_start3A_250 = arith.constant 4 : i32
    %dma_start3A_251 = arith.constant 256 : i32
    %dma_start3A_252 = arith.constant 0 : i32
    %dma_start3A_253 = tpu.memref_slice %arg6[%dma_start3A_251, %dma_start3A_252] : memref<512x128xf32, #tpu.memory_space<vmem>> -> memref<64x128xf32, #tpu.memory_space<vmem>>
    %dma_start3A_254 = arith.constant 0 : i32
    %dma_start3A_255 = tpu.memref_slice %arg4[%add3A_249, %dma_start3A_254] : memref<16384x128xf32, #tpu.memory_space<hbm>> -> memref<64x128xf32, #tpu.memory_space<hbm>>
    %dma_start3A_256 = tpu.memref_slice %arg10[%dma_start3A_250] : memref<8x!tpu.dma_semaphore, #tpu.memory_space<semaphore_mem>> -> memref<1x!tpu.dma_semaphore, #tpu.memory_space<semaphore_mem>>
    %dma_start3A_257 = tpu.memref_squeeze %dma_start3A_256 : memref<1x!tpu.dma_semaphore, #tpu.memory_space<semaphore_mem>> -> memref<!tpu.dma_semaphore, #tpu.memory_space<semaphore_mem>>
    %dma_start3A_258 = arith.constant 0 : i32
    %dma_start3A_259 = tpu.memref_slice %arg4[%add3A_249, %dma_start3A_258] : memref<16384x128xf32, #tpu.memory_space<hbm>> -> memref<64x128xf32, #tpu.memory_space<hbm>>
    %dma_start3A_260 = arith.constant 256 : i32
    %dma_start3A_261 = arith.constant 0 : i32
    %dma_start3A_262 = tpu.memref_slice %arg6[%dma_start3A_260, %dma_start3A_261] : memref<512x128xf32, #tpu.memory_space<vmem>> -> memref<64x128xf32, #tpu.memory_space<vmem>>
    tpu.enqueue_dma source(%dma_start3A_262 : memref<64x128xf32, #tpu.memory_space<vmem>>) target(%dma_start3A_259 : memref<64x128xf32, #tpu.memory_space<hbm>>) target_semaphore(%dma_start3A_257 : memref<!tpu.dma_semaphore, #tpu.memory_space<semaphore_mem>>)
    %dma_wait3A_263 = arith.constant 5 : i32
    %dma_wait3A_264 = arith.constant 5 : i32
    %dma_wait3A_265 = arith.constant 320 : i32
    %dma_wait3A_266 = arith.constant 0 : i32
    %dma_wait3A_267 = tpu.memref_slice %arg6[%dma_wait3A_265, %dma_wait3A_266] : memref<512x128xf32, #tpu.memory_space<vmem>> -> memref<64x128xf32, #tpu.memory_space<vmem>>
    %dma_wait3A_268 = arith.constant 0 : i32
    %dma_wait3A_269 = tpu.memref_slice %arg5[%dma_wait3A_263, %dma_wait3A_268] : memref<8x64xi32, #tpu.memory_space<vmem>> -> memref<1x64xi32, #tpu.memory_space<vmem>>
    %dma_wait3A_270 = tpu.memref_squeeze %dma_wait3A_269 : memref<1x64xi32, #tpu.memory_space<vmem>> -> memref<64xi32, #tpu.memory_space<vmem>>
    %dma_wait3A_271 = arith.constant 0 : i32
    %dma_wait3A_272 = arith.constant 0 : i32
    %dma_wait3A_273 = tpu.memref_slice %arg7[%dma_wait3A_271, %dma_wait3A_272] : memref<1001x128xf32, #tpu.memory_space<vmem_shared>> -> memref<1001x128xf32, #tpu.memory_space<vmem_shared>>
    %dma_wait3A_274 = tpu.memref_slice %arg9[%dma_wait3A_264] : memref<8x!tpu.dma_semaphore, #tpu.memory_space<semaphore_mem>> -> memref<1x!tpu.dma_semaphore, #tpu.memory_space<semaphore_mem>>
    %dma_wait3A_275 = tpu.memref_squeeze %dma_wait3A_274 : memref<1x!tpu.dma_semaphore, #tpu.memory_space<semaphore_mem>> -> memref<!tpu.dma_semaphore, #tpu.memory_space<semaphore_mem>>
    tpu.wait_indirect_dma semaphore(%dma_wait3A_275 : memref<!tpu.dma_semaphore, #tpu.memory_space<semaphore_mem>>) src(%dma_wait3A_273 : memref<1001x128xf32, #tpu.memory_space<vmem_shared>>) dst(%dma_wait3A_267 : memref<64x128xf32, #tpu.memory_space<vmem>>)
    %add3A_276 = arith.constant 320 : i32
    %add3A_277 = arith.addi %mul3A_2, %add3A_276 : i32
    %dma_start3A_278 = arith.constant 5 : i32
    %dma_start3A_279 = arith.constant 320 : i32
    %dma_start3A_280 = arith.constant 0 : i32
    %dma_start3A_281 = tpu.memref_slice %arg6[%dma_start3A_279, %dma_start3A_280] : memref<512x128xf32, #tpu.memory_space<vmem>> -> memref<64x128xf32, #tpu.memory_space<vmem>>
    %dma_start3A_282 = arith.constant 0 : i32
    %dma_start3A_283 = tpu.memref_slice %arg4[%add3A_277, %dma_start3A_282] : memref<16384x128xf32, #tpu.memory_space<hbm>> -> memref<64x128xf32, #tpu.memory_space<hbm>>
    %dma_start3A_284 = tpu.memref_slice %arg10[%dma_start3A_278] : memref<8x!tpu.dma_semaphore, #tpu.memory_space<semaphore_mem>> -> memref<1x!tpu.dma_semaphore, #tpu.memory_space<semaphore_mem>>
    %dma_start3A_285 = tpu.memref_squeeze %dma_start3A_284 : memref<1x!tpu.dma_semaphore, #tpu.memory_space<semaphore_mem>> -> memref<!tpu.dma_semaphore, #tpu.memory_space<semaphore_mem>>
    %dma_start3A_286 = arith.constant 0 : i32
    %dma_start3A_287 = tpu.memref_slice %arg4[%add3A_277, %dma_start3A_286] : memref<16384x128xf32, #tpu.memory_space<hbm>> -> memref<64x128xf32, #tpu.memory_space<hbm>>
    %dma_start3A_288 = arith.constant 320 : i32
    %dma_start3A_289 = arith.constant 0 : i32
    %dma_start3A_290 = tpu.memref_slice %arg6[%dma_start3A_288, %dma_start3A_289] : memref<512x128xf32, #tpu.memory_space<vmem>> -> memref<64x128xf32, #tpu.memory_space<vmem>>
    tpu.enqueue_dma source(%dma_start3A_290 : memref<64x128xf32, #tpu.memory_space<vmem>>) target(%dma_start3A_287 : memref<64x128xf32, #tpu.memory_space<hbm>>) target_semaphore(%dma_start3A_285 : memref<!tpu.dma_semaphore, #tpu.memory_space<semaphore_mem>>)
    %dma_wait3A_291 = arith.constant 6 : i32
    %dma_wait3A_292 = arith.constant 6 : i32
    %dma_wait3A_293 = arith.constant 384 : i32
    %dma_wait3A_294 = arith.constant 0 : i32
    %dma_wait3A_295 = tpu.memref_slice %arg6[%dma_wait3A_293, %dma_wait3A_294] : memref<512x128xf32, #tpu.memory_space<vmem>> -> memref<64x128xf32, #tpu.memory_space<vmem>>
    %dma_wait3A_296 = arith.constant 0 : i32
    %dma_wait3A_297 = tpu.memref_slice %arg5[%dma_wait3A_291, %dma_wait3A_296] : memref<8x64xi32, #tpu.memory_space<vmem>> -> memref<1x64xi32, #tpu.memory_space<vmem>>
    %dma_wait3A_298 = tpu.memref_squeeze %dma_wait3A_297 : memref<1x64xi32, #tpu.memory_space<vmem>> -> memref<64xi32, #tpu.memory_space<vmem>>
    %dma_wait3A_299 = arith.constant 0 : i32
    %dma_wait3A_300 = arith.constant 0 : i32
    %dma_wait3A_301 = tpu.memref_slice %arg7[%dma_wait3A_299, %dma_wait3A_300] : memref<1001x128xf32, #tpu.memory_space<vmem_shared>> -> memref<1001x128xf32, #tpu.memory_space<vmem_shared>>
    %dma_wait3A_302 = tpu.memref_slice %arg9[%dma_wait3A_292] : memref<8x!tpu.dma_semaphore, #tpu.memory_space<semaphore_mem>> -> memref<1x!tpu.dma_semaphore, #tpu.memory_space<semaphore_mem>>
    %dma_wait3A_303 = tpu.memref_squeeze %dma_wait3A_302 : memref<1x!tpu.dma_semaphore, #tpu.memory_space<semaphore_mem>> -> memref<!tpu.dma_semaphore, #tpu.memory_space<semaphore_mem>>
    tpu.wait_indirect_dma semaphore(%dma_wait3A_303 : memref<!tpu.dma_semaphore, #tpu.memory_space<semaphore_mem>>) src(%dma_wait3A_301 : memref<1001x128xf32, #tpu.memory_space<vmem_shared>>) dst(%dma_wait3A_295 : memref<64x128xf32, #tpu.memory_space<vmem>>)
    %add3A_304 = arith.constant 384 : i32
    %add3A_305 = arith.addi %mul3A_2, %add3A_304 : i32
    %dma_start3A_306 = arith.constant 6 : i32
    %dma_start3A_307 = arith.constant 384 : i32
    %dma_start3A_308 = arith.constant 0 : i32
    %dma_start3A_309 = tpu.memref_slice %arg6[%dma_start3A_307, %dma_start3A_308] : memref<512x128xf32, #tpu.memory_space<vmem>> -> memref<64x128xf32, #tpu.memory_space<vmem>>
    %dma_start3A_310 = arith.constant 0 : i32
    %dma_start3A_311 = tpu.memref_slice %arg4[%add3A_305, %dma_start3A_310] : memref<16384x128xf32, #tpu.memory_space<hbm>> -> memref<64x128xf32, #tpu.memory_space<hbm>>
    %dma_start3A_312 = tpu.memref_slice %arg10[%dma_start3A_306] : memref<8x!tpu.dma_semaphore, #tpu.memory_space<semaphore_mem>> -> memref<1x!tpu.dma_semaphore, #tpu.memory_space<semaphore_mem>>
    %dma_start3A_313 = tpu.memref_squeeze %dma_start3A_312 : memref<1x!tpu.dma_semaphore, #tpu.memory_space<semaphore_mem>> -> memref<!tpu.dma_semaphore, #tpu.memory_space<semaphore_mem>>
    %dma_start3A_314 = arith.constant 0 : i32
    %dma_start3A_315 = tpu.memref_slice %arg4[%add3A_305, %dma_start3A_314] : memref<16384x128xf32, #tpu.memory_space<hbm>> -> memref<64x128xf32, #tpu.memory_space<hbm>>
    %dma_start3A_316 = arith.constant 384 : i32
    %dma_start3A_317 = arith.constant 0 : i32
    %dma_start3A_318 = tpu.memref_slice %arg6[%dma_start3A_316, %dma_start3A_317] : memref<512x128xf32, #tpu.memory_space<vmem>> -> memref<64x128xf32, #tpu.memory_space<vmem>>
    tpu.enqueue_dma source(%dma_start3A_318 : memref<64x128xf32, #tpu.memory_space<vmem>>) target(%dma_start3A_315 : memref<64x128xf32, #tpu.memory_space<hbm>>) target_semaphore(%dma_start3A_313 : memref<!tpu.dma_semaphore, #tpu.memory_space<semaphore_mem>>)
    %dma_wait3A_319 = arith.constant 7 : i32
    %dma_wait3A_320 = arith.constant 7 : i32
    %dma_wait3A_321 = arith.constant 448 : i32
    %dma_wait3A_322 = arith.constant 0 : i32
    %dma_wait3A_323 = tpu.memref_slice %arg6[%dma_wait3A_321, %dma_wait3A_322] : memref<512x128xf32, #tpu.memory_space<vmem>> -> memref<64x128xf32, #tpu.memory_space<vmem>>
    %dma_wait3A_324 = arith.constant 0 : i32
    %dma_wait3A_325 = tpu.memref_slice %arg5[%dma_wait3A_319, %dma_wait3A_324] : memref<8x64xi32, #tpu.memory_space<vmem>> -> memref<1x64xi32, #tpu.memory_space<vmem>>
    %dma_wait3A_326 = tpu.memref_squeeze %dma_wait3A_325 : memref<1x64xi32, #tpu.memory_space<vmem>> -> memref<64xi32, #tpu.memory_space<vmem>>
    %dma_wait3A_327 = arith.constant 0 : i32
    %dma_wait3A_328 = arith.constant 0 : i32
    %dma_wait3A_329 = tpu.memref_slice %arg7[%dma_wait3A_327, %dma_wait3A_328] : memref<1001x128xf32, #tpu.memory_space<vmem_shared>> -> memref<1001x128xf32, #tpu.memory_space<vmem_shared>>
    %dma_wait3A_330 = tpu.memref_slice %arg9[%dma_wait3A_320] : memref<8x!tpu.dma_semaphore, #tpu.memory_space<semaphore_mem>> -> memref<1x!tpu.dma_semaphore, #tpu.memory_space<semaphore_mem>>
    %dma_wait3A_331 = tpu.memref_squeeze %dma_wait3A_330 : memref<1x!tpu.dma_semaphore, #tpu.memory_space<semaphore_mem>> -> memref<!tpu.dma_semaphore, #tpu.memory_space<semaphore_mem>>
    tpu.wait_indirect_dma semaphore(%dma_wait3A_331 : memref<!tpu.dma_semaphore, #tpu.memory_space<semaphore_mem>>) src(%dma_wait3A_329 : memref<1001x128xf32, #tpu.memory_space<vmem_shared>>) dst(%dma_wait3A_323 : memref<64x128xf32, #tpu.memory_space<vmem>>)
    %add3A_332 = arith.constant 448 : i32
    %add3A_333 = arith.addi %mul3A_2, %add3A_332 : i32
    %dma_start3A_334 = arith.constant 7 : i32
    %dma_start3A_335 = arith.constant 448 : i32
    %dma_start3A_336 = arith.constant 0 : i32
    %dma_start3A_337 = tpu.memref_slice %arg6[%dma_start3A_335, %dma_start3A_336] : memref<512x128xf32, #tpu.memory_space<vmem>> -> memref<64x128xf32, #tpu.memory_space<vmem>>
    %dma_start3A_338 = arith.constant 0 : i32
    %dma_start3A_339 = tpu.memref_slice %arg4[%add3A_333, %dma_start3A_338] : memref<16384x128xf32, #tpu.memory_space<hbm>> -> memref<64x128xf32, #tpu.memory_space<hbm>>
    %dma_start3A_340 = tpu.memref_slice %arg10[%dma_start3A_334] : memref<8x!tpu.dma_semaphore, #tpu.memory_space<semaphore_mem>> -> memref<1x!tpu.dma_semaphore, #tpu.memory_space<semaphore_mem>>
    %dma_start3A_341 = tpu.memref_squeeze %dma_start3A_340 : memref<1x!tpu.dma_semaphore, #tpu.memory_space<semaphore_mem>> -> memref<!tpu.dma_semaphore, #tpu.memory_space<semaphore_mem>>
    %dma_start3A_342 = arith.constant 0 : i32
    %dma_start3A_343 = tpu.memref_slice %arg4[%add3A_333, %dma_start3A_342] : memref<16384x128xf32, #tpu.memory_space<hbm>> -> memref<64x128xf32, #tpu.memory_space<hbm>>
    %dma_start3A_344 = arith.constant 448 : i32
    %dma_start3A_345 = arith.constant 0 : i32
    %dma_start3A_346 = tpu.memref_slice %arg6[%dma_start3A_344, %dma_start3A_345] : memref<512x128xf32, #tpu.memory_space<vmem>> -> memref<64x128xf32, #tpu.memory_space<vmem>>
    tpu.enqueue_dma source(%dma_start3A_346 : memref<64x128xf32, #tpu.memory_space<vmem>>) target(%dma_start3A_343 : memref<64x128xf32, #tpu.memory_space<hbm>>) target_semaphore(%dma_start3A_341 : memref<!tpu.dma_semaphore, #tpu.memory_space<semaphore_mem>>)
    %dma_wait3A_347 = arith.constant 0 : i32
    %dma_wait3A_348 = arith.constant 0 : i32
    %dma_wait3A_349 = arith.constant 0 : i32
    %dma_wait3A_350 = tpu.memref_slice %arg6[%dma_wait3A_348, %dma_wait3A_349] : memref<512x128xf32, #tpu.memory_space<vmem>> -> memref<64x128xf32, #tpu.memory_space<vmem>>
    %dma_wait3A_351 = arith.constant 0 : i32
    %dma_wait3A_352 = tpu.memref_slice %arg4[%add3A_137, %dma_wait3A_351] : memref<16384x128xf32, #tpu.memory_space<hbm>> -> memref<64x128xf32, #tpu.memory_space<hbm>>
    %dma_wait3A_353 = tpu.memref_slice %arg10[%dma_wait3A_347] : memref<8x!tpu.dma_semaphore, #tpu.memory_space<semaphore_mem>> -> memref<1x!tpu.dma_semaphore, #tpu.memory_space<semaphore_mem>>
    %dma_wait3A_354 = tpu.memref_squeeze %dma_wait3A_353 : memref<1x!tpu.dma_semaphore, #tpu.memory_space<semaphore_mem>> -> memref<!tpu.dma_semaphore, #tpu.memory_space<semaphore_mem>>
    %dma_wait3A_355 = arith.constant 0 : i32
    %dma_wait3A_356 = tpu.memref_slice %arg4[%add3A_137, %dma_wait3A_355] : memref<16384x128xf32, #tpu.memory_space<hbm>> -> memref<64x128xf32, #tpu.memory_space<hbm>>
    %dma_wait3A_357 = arith.constant 0 : i32
    %dma_wait3A_358 = arith.constant 0 : i32
    %dma_wait3A_359 = tpu.memref_slice %arg6[%dma_wait3A_357, %dma_wait3A_358] : memref<512x128xf32, #tpu.memory_space<vmem>> -> memref<64x128xf32, #tpu.memory_space<vmem>>
    tpu.wait_dma2 semaphore(%dma_wait3A_354 : memref<!tpu.dma_semaphore, #tpu.memory_space<semaphore_mem>>) src(%dma_wait3A_359 : memref<64x128xf32, #tpu.memory_space<vmem>>) dst(%dma_wait3A_356 : memref<64x128xf32, #tpu.memory_space<hbm>>)
    %dma_wait3A_360 = arith.constant 1 : i32
    %dma_wait3A_361 = arith.constant 64 : i32
    %dma_wait3A_362 = arith.constant 0 : i32
    %dma_wait3A_363 = tpu.memref_slice %arg6[%dma_wait3A_361, %dma_wait3A_362] : memref<512x128xf32, #tpu.memory_space<vmem>> -> memref<64x128xf32, #tpu.memory_space<vmem>>
    %dma_wait3A_364 = arith.constant 0 : i32
    %dma_wait3A_365 = tpu.memref_slice %arg4[%add3A_165, %dma_wait3A_364] : memref<16384x128xf32, #tpu.memory_space<hbm>> -> memref<64x128xf32, #tpu.memory_space<hbm>>
    %dma_wait3A_366 = tpu.memref_slice %arg10[%dma_wait3A_360] : memref<8x!tpu.dma_semaphore, #tpu.memory_space<semaphore_mem>> -> memref<1x!tpu.dma_semaphore, #tpu.memory_space<semaphore_mem>>
    %dma_wait3A_367 = tpu.memref_squeeze %dma_wait3A_366 : memref<1x!tpu.dma_semaphore, #tpu.memory_space<semaphore_mem>> -> memref<!tpu.dma_semaphore, #tpu.memory_space<semaphore_mem>>
    %dma_wait3A_368 = arith.constant 0 : i32
    %dma_wait3A_369 = tpu.memref_slice %arg4[%add3A_165, %dma_wait3A_368] : memref<16384x128xf32, #tpu.memory_space<hbm>> -> memref<64x128xf32, #tpu.memory_space<hbm>>
    %dma_wait3A_370 = arith.constant 64 : i32
    %dma_wait3A_371 = arith.constant 0 : i32
    %dma_wait3A_372 = tpu.memref_slice %arg6[%dma_wait3A_370, %dma_wait3A_371] : memref<512x128xf32, #tpu.memory_space<vmem>> -> memref<64x128xf32, #tpu.memory_space<vmem>>
    tpu.wait_dma2 semaphore(%dma_wait3A_367 : memref<!tpu.dma_semaphore, #tpu.memory_space<semaphore_mem>>) src(%dma_wait3A_372 : memref<64x128xf32, #tpu.memory_space<vmem>>) dst(%dma_wait3A_369 : memref<64x128xf32, #tpu.memory_space<hbm>>)
    %dma_wait3A_373 = arith.constant 2 : i32
    %dma_wait3A_374 = arith.constant 128 : i32
    %dma_wait3A_375 = arith.constant 0 : i32
    %dma_wait3A_376 = tpu.memref_slice %arg6[%dma_wait3A_374, %dma_wait3A_375] : memref<512x128xf32, #tpu.memory_space<vmem>> -> memref<64x128xf32, #tpu.memory_space<vmem>>
    %dma_wait3A_377 = arith.constant 0 : i32
    %dma_wait3A_378 = tpu.memref_slice %arg4[%add3A_193, %dma_wait3A_377] : memref<16384x128xf32, #tpu.memory_space<hbm>> -> memref<64x128xf32, #tpu.memory_space<hbm>>
    %dma_wait3A_379 = tpu.memref_slice %arg10[%dma_wait3A_373] : memref<8x!tpu.dma_semaphore, #tpu.memory_space<semaphore_mem>> -> memref<1x!tpu.dma_semaphore, #tpu.memory_space<semaphore_mem>>
    %dma_wait3A_380 = tpu.memref_squeeze %dma_wait3A_379 : memref<1x!tpu.dma_semaphore, #tpu.memory_space<semaphore_mem>> -> memref<!tpu.dma_semaphore, #tpu.memory_space<semaphore_mem>>
    %dma_wait3A_381 = arith.constant 0 : i32
    %dma_wait3A_382 = tpu.memref_slice %arg4[%add3A_193, %dma_wait3A_381] : memref<16384x128xf32, #tpu.memory_space<hbm>> -> memref<64x128xf32, #tpu.memory_space<hbm>>
    %dma_wait3A_383 = arith.constant 128 : i32
    %dma_wait3A_384 = arith.constant 0 : i32
    %dma_wait3A_385 = tpu.memref_slice %arg6[%dma_wait3A_383, %dma_wait3A_384] : memref<512x128xf32, #tpu.memory_space<vmem>> -> memref<64x128xf32, #tpu.memory_space<vmem>>
    tpu.wait_dma2 semaphore(%dma_wait3A_380 : memref<!tpu.dma_semaphore, #tpu.memory_space<semaphore_mem>>) src(%dma_wait3A_385 : memref<64x128xf32, #tpu.memory_space<vmem>>) dst(%dma_wait3A_382 : memref<64x128xf32, #tpu.memory_space<hbm>>)
    %dma_wait3A_386 = arith.constant 3 : i32
    %dma_wait3A_387 = arith.constant 192 : i32
    %dma_wait3A_388 = arith.constant 0 : i32
    %dma_wait3A_389 = tpu.memref_slice %arg6[%dma_wait3A_387, %dma_wait3A_388] : memref<512x128xf32, #tpu.memory_space<vmem>> -> memref<64x128xf32, #tpu.memory_space<vmem>>
    %dma_wait3A_390 = arith.constant 0 : i32
    %dma_wait3A_391 = tpu.memref_slice %arg4[%add3A_221, %dma_wait3A_390] : memref<16384x128xf32, #tpu.memory_space<hbm>> -> memref<64x128xf32, #tpu.memory_space<hbm>>
    %dma_wait3A_392 = tpu.memref_slice %arg10[%dma_wait3A_386] : memref<8x!tpu.dma_semaphore, #tpu.memory_space<semaphore_mem>> -> memref<1x!tpu.dma_semaphore, #tpu.memory_space<semaphore_mem>>
    %dma_wait3A_393 = tpu.memref_squeeze %dma_wait3A_392 : memref<1x!tpu.dma_semaphore, #tpu.memory_space<semaphore_mem>> -> memref<!tpu.dma_semaphore, #tpu.memory_space<semaphore_mem>>
    %dma_wait3A_394 = arith.constant 0 : i32
    %dma_wait3A_395 = tpu.memref_slice %arg4[%add3A_221, %dma_wait3A_394] : memref<16384x128xf32, #tpu.memory_space<hbm>> -> memref<64x128xf32, #tpu.memory_space<hbm>>
    %dma_wait3A_396 = arith.constant 192 : i32
    %dma_wait3A_397 = arith.constant 0 : i32
    %dma_wait3A_398 = tpu.memref_slice %arg6[%dma_wait3A_396, %dma_wait3A_397] : memref<512x128xf32, #tpu.memory_space<vmem>> -> memref<64x128xf32, #tpu.memory_space<vmem>>
    tpu.wait_dma2 semaphore(%dma_wait3A_393 : memref<!tpu.dma_semaphore, #tpu.memory_space<semaphore_mem>>) src(%dma_wait3A_398 : memref<64x128xf32, #tpu.memory_space<vmem>>) dst(%dma_wait3A_395 : memref<64x128xf32, #tpu.memory_space<hbm>>)
    %dma_wait3A_399 = arith.constant 4 : i32
    %dma_wait3A_400 = arith.constant 256 : i32
    %dma_wait3A_401 = arith.constant 0 : i32
    %dma_wait3A_402 = tpu.memref_slice %arg6[%dma_wait3A_400, %dma_wait3A_401] : memref<512x128xf32, #tpu.memory_space<vmem>> -> memref<64x128xf32, #tpu.memory_space<vmem>>
    %dma_wait3A_403 = arith.constant 0 : i32
    %dma_wait3A_404 = tpu.memref_slice %arg4[%add3A_249, %dma_wait3A_403] : memref<16384x128xf32, #tpu.memory_space<hbm>> -> memref<64x128xf32, #tpu.memory_space<hbm>>
    %dma_wait3A_405 = tpu.memref_slice %arg10[%dma_wait3A_399] : memref<8x!tpu.dma_semaphore, #tpu.memory_space<semaphore_mem>> -> memref<1x!tpu.dma_semaphore, #tpu.memory_space<semaphore_mem>>
    %dma_wait3A_406 = tpu.memref_squeeze %dma_wait3A_405 : memref<1x!tpu.dma_semaphore, #tpu.memory_space<semaphore_mem>> -> memref<!tpu.dma_semaphore, #tpu.memory_space<semaphore_mem>>
    %dma_wait3A_407 = arith.constant 0 : i32
    %dma_wait3A_408 = tpu.memref_slice %arg4[%add3A_249, %dma_wait3A_407] : memref<16384x128xf32, #tpu.memory_space<hbm>> -> memref<64x128xf32, #tpu.memory_space<hbm>>
    %dma_wait3A_409 = arith.constant 256 : i32
    %dma_wait3A_410 = arith.constant 0 : i32
    %dma_wait3A_411 = tpu.memref_slice %arg6[%dma_wait3A_409, %dma_wait3A_410] : memref<512x128xf32, #tpu.memory_space<vmem>> -> memref<64x128xf32, #tpu.memory_space<vmem>>
    tpu.wait_dma2 semaphore(%dma_wait3A_406 : memref<!tpu.dma_semaphore, #tpu.memory_space<semaphore_mem>>) src(%dma_wait3A_411 : memref<64x128xf32, #tpu.memory_space<vmem>>) dst(%dma_wait3A_408 : memref<64x128xf32, #tpu.memory_space<hbm>>)
    %dma_wait3A_412 = arith.constant 5 : i32
    %dma_wait3A_413 = arith.constant 320 : i32
    %dma_wait3A_414 = arith.constant 0 : i32
    %dma_wait3A_415 = tpu.memref_slice %arg6[%dma_wait3A_413, %dma_wait3A_414] : memref<512x128xf32, #tpu.memory_space<vmem>> -> memref<64x128xf32, #tpu.memory_space<vmem>>
    %dma_wait3A_416 = arith.constant 0 : i32
    %dma_wait3A_417 = tpu.memref_slice %arg4[%add3A_277, %dma_wait3A_416] : memref<16384x128xf32, #tpu.memory_space<hbm>> -> memref<64x128xf32, #tpu.memory_space<hbm>>
    %dma_wait3A_418 = tpu.memref_slice %arg10[%dma_wait3A_412] : memref<8x!tpu.dma_semaphore, #tpu.memory_space<semaphore_mem>> -> memref<1x!tpu.dma_semaphore, #tpu.memory_space<semaphore_mem>>
    %dma_wait3A_419 = tpu.memref_squeeze %dma_wait3A_418 : memref<1x!tpu.dma_semaphore, #tpu.memory_space<semaphore_mem>> -> memref<!tpu.dma_semaphore, #tpu.memory_space<semaphore_mem>>
    %dma_wait3A_420 = arith.constant 0 : i32
    %dma_wait3A_421 = tpu.memref_slice %arg4[%add3A_277, %dma_wait3A_420] : memref<16384x128xf32, #tpu.memory_space<hbm>> -> memref<64x128xf32, #tpu.memory_space<hbm>>
    %dma_wait3A_422 = arith.constant 320 : i32
    %dma_wait3A_423 = arith.constant 0 : i32
    %dma_wait3A_424 = tpu.memref_slice %arg6[%dma_wait3A_422, %dma_wait3A_423] : memref<512x128xf32, #tpu.memory_space<vmem>> -> memref<64x128xf32, #tpu.memory_space<vmem>>
    tpu.wait_dma2 semaphore(%dma_wait3A_419 : memref<!tpu.dma_semaphore, #tpu.memory_space<semaphore_mem>>) src(%dma_wait3A_424 : memref<64x128xf32, #tpu.memory_space<vmem>>) dst(%dma_wait3A_421 : memref<64x128xf32, #tpu.memory_space<hbm>>)
    %dma_wait3A_425 = arith.constant 6 : i32
    %dma_wait3A_426 = arith.constant 384 : i32
    %dma_wait3A_427 = arith.constant 0 : i32
    %dma_wait3A_428 = tpu.memref_slice %arg6[%dma_wait3A_426, %dma_wait3A_427] : memref<512x128xf32, #tpu.memory_space<vmem>> -> memref<64x128xf32, #tpu.memory_space<vmem>>
    %dma_wait3A_429 = arith.constant 0 : i32
    %dma_wait3A_430 = tpu.memref_slice %arg4[%add3A_305, %dma_wait3A_429] : memref<16384x128xf32, #tpu.memory_space<hbm>> -> memref<64x128xf32, #tpu.memory_space<hbm>>
    %dma_wait3A_431 = tpu.memref_slice %arg10[%dma_wait3A_425] : memref<8x!tpu.dma_semaphore, #tpu.memory_space<semaphore_mem>> -> memref<1x!tpu.dma_semaphore, #tpu.memory_space<semaphore_mem>>
    %dma_wait3A_432 = tpu.memref_squeeze %dma_wait3A_431 : memref<1x!tpu.dma_semaphore, #tpu.memory_space<semaphore_mem>> -> memref<!tpu.dma_semaphore, #tpu.memory_space<semaphore_mem>>
    %dma_wait3A_433 = arith.constant 0 : i32
    %dma_wait3A_434 = tpu.memref_slice %arg4[%add3A_305, %dma_wait3A_433] : memref<16384x128xf32, #tpu.memory_space<hbm>> -> memref<64x128xf32, #tpu.memory_space<hbm>>
    %dma_wait3A_435 = arith.constant 384 : i32
    %dma_wait3A_436 = arith.constant 0 : i32
    %dma_wait3A_437 = tpu.memref_slice %arg6[%dma_wait3A_435, %dma_wait3A_436] : memref<512x128xf32, #tpu.memory_space<vmem>> -> memref<64x128xf32, #tpu.memory_space<vmem>>
    tpu.wait_dma2 semaphore(%dma_wait3A_432 : memref<!tpu.dma_semaphore, #tpu.memory_space<semaphore_mem>>) src(%dma_wait3A_437 : memref<64x128xf32, #tpu.memory_space<vmem>>) dst(%dma_wait3A_434 : memref<64x128xf32, #tpu.memory_space<hbm>>)
    %dma_wait3A_438 = arith.constant 7 : i32
    %dma_wait3A_439 = arith.constant 448 : i32
    %dma_wait3A_440 = arith.constant 0 : i32
    %dma_wait3A_441 = tpu.memref_slice %arg6[%dma_wait3A_439, %dma_wait3A_440] : memref<512x128xf32, #tpu.memory_space<vmem>> -> memref<64x128xf32, #tpu.memory_space<vmem>>
    %dma_wait3A_442 = arith.constant 0 : i32
    %dma_wait3A_443 = tpu.memref_slice %arg4[%add3A_333, %dma_wait3A_442] : memref<16384x128xf32, #tpu.memory_space<hbm>> -> memref<64x128xf32, #tpu.memory_space<hbm>>
    %dma_wait3A_444 = tpu.memref_slice %arg10[%dma_wait3A_438] : memref<8x!tpu.dma_semaphore, #tpu.memory_space<semaphore_mem>> -> memref<1x!tpu.dma_semaphore, #tpu.memory_space<semaphore_mem>>
    %dma_wait3A_445 = tpu.memref_squeeze %dma_wait3A_444 : memref<1x!tpu.dma_semaphore, #tpu.memory_space<semaphore_mem>> -> memref<!tpu.dma_semaphore, #tpu.memory_space<semaphore_mem>>
    %dma_wait3A_446 = arith.constant 0 : i32
    %dma_wait3A_447 = tpu.memref_slice %arg4[%add3A_333, %dma_wait3A_446] : memref<16384x128xf32, #tpu.memory_space<hbm>> -> memref<64x128xf32, #tpu.memory_space<hbm>>
    %dma_wait3A_448 = arith.constant 448 : i32
    %dma_wait3A_449 = arith.constant 0 : i32
    %dma_wait3A_450 = tpu.memref_slice %arg6[%dma_wait3A_448, %dma_wait3A_449] : memref<512x128xf32, #tpu.memory_space<vmem>> -> memref<64x128xf32, #tpu.memory_space<vmem>>
    tpu.wait_dma2 semaphore(%dma_wait3A_445 : memref<!tpu.dma_semaphore, #tpu.memory_space<semaphore_mem>>) src(%dma_wait3A_450 : memref<64x128xf32, #tpu.memory_space<vmem>>) dst(%dma_wait3A_447 : memref<64x128xf32, #tpu.memory_space<hbm>>)
    return
  }
}

</mosaic_0001>

<sc_bundles>
// kernel: _embed.3.cloned.1.call-start
scs
__scs_entry_jumppad:
0x0: {  	(pc) =	sbr.rel $0x88, $3  }
0x1: {  	(tag) =	ssettag $0x0;
	lr =	simm.s32 $0x1  }
0x2: {  	[smem:$0x3F9F] =	sst lr;
	_ =	strace $0xD0000000  }
0x3: {  	_ = 	snop  }
0x4: {  	_ = 	snop  }
0x5: {  	_ = 	snop  }
0x6: {  	_ = 	snop  }
0x7: {  	_ = 	snop  }
__scs_overlays_trampoline_lowered:
0x8: {  	[smem:$0x3FAE] =	sst s0  }
0x9: {  	[smem:$0x3FAF] =	sst s1  }
0xa: {  	[smem:$0x3FB0] =	sst s2  }
0xb: {  	[smem:$0x3FB1] =	sst s3  }
0xc: {  	[smem:$0x3FB2] =	sst s4  }
0xd: {  	[smem:$0x3FB3] =	sst s5  }
0xe: {  	[smem:$0x3FB4] =	sst s6  }
0xf: {  	[smem:$0x3FB5] =	sst s7  }
0x10: {  	[smem:$0x3FB6] =	sst s8  }
0x11: {  	[smem:$0x3FB7] =	sst s9;
	s0 =	simm.s32 @!p0 $0x0  }
0x12: {  	s1 =	sld [smem:$0x3F9D];
	s0 =	simm.s32 @p0 $0x1  }
0x13: {  	[smem:$0x3FB8] =	sst s0;
	s0 =	simm.s32 @!p1 $0x0  }
0x14: {  	s2 =	sld [smem:$0x3F9C];
	s0 =	simm.s32 @p1 $0x1  }
0x15: {  	[smem:$0x3FB9] =	sst s0;
	s0 =	simm.s32 @!p2 $0x0  }
0x16: {  	s3 =	sld [smem:$0x3FDB];
	s0 =	simm.s32 @p2 $0x1  }
0x17: {  	s4 =	simm.s32 $0x1BF5;
	[smem:$0x3FBB] =	sst s0  }
0x18: {  	s0 =	sld [smem:$0x3F9E];
	_ =	swait.ge [sflag:s4], $0x0  }
0x19: {  	s7 =	sld [smem:$0x3F9F]  }
0x1a: {  	s8 =	sadd.s32 $0xFFFFE003, lr  }
0x1b: {  	s9 =	sadd.s32 $0xFFFFFEF7, lr;
	s5 =	simm.s32 $0xFFFFFFFF;
	p2 =	slt.u32 s8, $0xFFFFF086  }
0x1c: {  	p1 =	slt.u32 s9, $0xF7A;
	s5 =	simm.s32 @!p2 $0x0  }
0x1d: {  	s5 =	simm.s32 @p1 $0x1;
	p0 =	seq.s32 s7, s2  }
0x1e: {  	s7 =	smul.u32 @!p0 $0xF7A, s2;
	p2 =	seq.s32 @!p0 s5, $0x0  }
0x1f: {  	s9 =	smul.u32 $0xF7A, s1;
	s8 =	simm.s32 @!p0 $0x1BF5;
	p2 =	por !p2, p0  }
0x20: {  	[sflag:s8] =	ssyncset.s32 @!p0 $0xFFFFF086;
	s6 =	sadd.s32 @!p0 s3, s7;
	s7 =	simm.s32 @!p0 $0x108  }
0x21: {  	s3 =	sadd.s32 s3, s9;
	s6 =	sadd.s32 @!p0 $0x88, s6;
	s7 =	simm.s32 @p2 $0x1082  }
0x22: {  	[simem:s7], [sflag:s8] =	dma.local @!p0 [hbm:s6], $0xF7A  }
0x23: {  	s9 =	sor.u32 $0xD0000000, s2;
	s6 =	simm.s32 $0x108;
	_ =	swait.ge @!p0 [sflag:s8], $0x0  }
0x24: {  	s3 =	sadd.s32 $0x88, s3;
	s6 =	simm.s32 @!p1 $0x1082;
	[sflag:s4] =	ssyncset.s32 $0xFFFFF086  }
0x25: {  	[simem:s6], [sflag:s4] =	dma.local [hbm:s3], $0xF7A  }
0x26: {  	[smem:$0x3F9F] =	sst s1;
	(tag) =	ssettag s2;
	_ =	strace s9  }
0x27: {  	s1 =	sld [smem:$0x3FAF]  }
0x28: {  	s2 =	sld [smem:$0x3FB0]  }
0x29: {  	s4 =	sld [smem:$0x3FB2]  }
0x2a: {  	p0 =	seq.s32 s5, $0x0;
	s5 =	sld [smem:$0x3FB3]  }
0x2b: {  	s6 =	sld [smem:$0x3FB4]  }
0x2c: {  	s7 =	sld [smem:$0x3FB5]  }
0x2d: {  	s3 =	simm.s32 $0x108;
	s8 =	sld [smem:$0x3FB6]  }
0x2e: {  	s3 =	simm.s32 @!p0 $0x1082;
	s9 =	sld [smem:$0x3FB7]  }
0x2f: {  	lr =	sadd.s32 s0, s3;
	s0 =	sld [smem:$0x3FAE]  }
0x30: {  	s3 =	sld [smem:$0x3FB1]  }
0x31: {  	[smem:$0x3FBA] =	sst s10  }
0x32: {  	s10 =	sld [smem:$0x3FB8];
	_ =	sdelay $0x3  }
0x33: {  	p0 =	seq.s32 s10, $0x1;
	s10 =	sld [smem:$0x3FBA];
	_ =	sdelay $0x3  }
0x34: {  	[smem:$0x3FBA] =	sst s10  }
0x35: {  	s10 =	sld [smem:$0x3FB9];
	_ =	sdelay $0x3  }
0x36: {  	p1 =	seq.s32 s10, $0x1;
	s10 =	sld [smem:$0x3FBA];
	_ =	sdelay $0x3  }
0x37: {  	[smem:$0x3FBA] =	sst s10  }
0x38: {  	s10 =	sld [smem:$0x3FBB]  }
0x39: {  	_ = 	snop;
	(pc) =	sbr.ind lr, $3  }
0x3a: {  	_ = 	snop  }
0x3b: {  	_ = 	snop  }
0x3c: {  	p2 =	seq.s32 s10, $0x1;
	s10 =	sld [smem:$0x3FBA]  }
0x3d: {  	_ =	shalt  }
0x3e: {  	_ =	shalt  }
0x3f: {  	_ =	shalt  }
0x40: {  	_ =	shalt  }
0x41: {  	_ =	shalt  }
0x42: {  	_ =	shalt  }
0x43: {  	_ =	shalt  }
0x44: {  	_ =	shalt  }
0x45: {  	_ =	shalt  }
0x46: {  	_ =	shalt  }
0x47: {  	_ =	shalt  }
0x48: {  	_ =	shalt  }
0x49: {  	_ =	shalt  }
0x4a: {  	_ =	shalt  }
0x4b: {  	_ =	shalt  }
0x4c: {  	_ =	shalt  }
0x4d: {  	_ =	shalt  }
0x4e: {  	_ =	shalt  }
0x4f: {  	_ =	shalt  }
0x50: {  	_ =	shalt  }
0x51: {  	_ =	shalt  }
0x52: {  	_ =	shalt  }
0x53: {  	_ =	shalt  }
0x54: {  	_ =	shalt  }
0x55: {  	_ =	shalt  }
0x56: {  	_ =	shalt  }
0x57: {  	_ =	shalt  }
0x58: {  	_ =	shalt  }
0x59: {  	_ =	shalt  }
0x5a: {  	_ =	shalt  }
0x5b: {  	_ =	shalt  }
0x5c: {  	_ =	shalt  }
0x5d: {  	_ =	shalt  }
0x5e: {  	_ =	shalt  }
0x5f: {  	_ =	shalt  }
0x60: {  	_ =	shalt  }
0x61: {  	_ =	shalt  }
0x62: {  	_ =	shalt  }
0x63: {  	_ =	shalt  }
0x64: {  	_ =	shalt  }
0x65: {  	_ =	shalt  }
0x66: {  	_ =	shalt  }
0x67: {  	_ =	shalt  }
0x68: {  	_ =	shalt  }
0x69: {  	_ =	shalt  }
0x6a: {  	_ =	shalt  }
0x6b: {  	_ =	shalt  }
0x6c: {  	_ =	shalt  }
0x6d: {  	_ =	shalt  }
0x6e: {  	_ =	shalt  }
0x6f: {  	_ =	shalt  }
0x70: {  	_ =	shalt  }
0x71: {  	_ =	shalt  }
0x72: {  	_ =	shalt  }
0x73: {  	_ =	shalt  }
0x74: {  	_ =	shalt  }
0x75: {  	_ =	shalt  }
0x76: {  	_ =	shalt  }
0x77: {  	_ =	shalt  }
0x78: {  	_ =	shalt  }
0x79: {  	_ =	shalt  }
0x7a: {  	_ =	shalt  }
0x7b: {  	_ =	shalt  }
0x7c: {  	_ =	shalt  }
0x7d: {  	_ =	shalt  }
0x7e: {  	_ =	shalt  }
0x7f: {  	_ =	shalt  }
0x80: {  	_ =	shalt  }
0x81: {  	_ =	shalt  }
0x82: {  	_ =	shalt  }
0x83: {  	_ =	shalt  }
0x84: {  	_ =	shalt  }
0x85: {  	_ =	shalt  }
0x86: {  	_ =	shalt  }
0x87: {  	_ =	shalt  }
.Lfunc_end0:
.L_simem_size_0:
called_computation_lowered:
.L_overlay_start_0:
0x88: {  	s2 =	sld [smem:$0x3FD9]  }
0x89: {  	s3 =	sld [smem:$0x3FFE];
	_ =	sdelay $0x1  }
0x8a: {  	s1 =	srdreg.scid  }
0x8b: {  	s0 =	sand.u32 $0x1, s1  }
0x8c: {  	s17 =	sshll.u32 s0, $0xA;
	s2 =	sadd.s32 s3, s2  }
0x8d: {  	s2 =	sadd.s32 s2, s17  }
0x8e: {  	[smem:$0x3FC6] =	sst s2  }
0x8f: {  	_ = 	snop  }
0x90: {  	s2 =	sld [smem:$0x3FC8]  }
0x91: {  	s18 =	sld [smem:$0x3FD0];
	(tm) =	ssettm $0x1  }
0x92: {  	s4 =	sld [smem:$0x3FFB];
	_ =	sdelay $0x3  }
0x93: {  	_ =	strace s4  }
0x94: {  	s4 =	sld [smem:$0x3FFC];
	_ =	sdelay $0x3  }
0x95: {  	_ =	strace s4  }
0x96: {  	s4 =	sld [smem:$0x3FFD];
	_ =	sdelay $0x3  }
0x97: {  	_ =	strace s4  }
0x98: {  	_ =	strace $0x8FFFFFFF  }
0x99: {  	s19 =	sld [smem:$0x3FDB];
	_ =	sdelay $0x1  }
0x9a: {  	s5 =	simm.s32 $_scs_section_size  }
0x9b: {  	s6 =	simm.s32 $_size__tile_overlayer_lowered;
	s7 =	simm.s32 $_tile_overlayer_lowered  }
0x9c: {  	s22 =	simm.s32 $0x1BFF;
	s21 =	sshll.u32 s7, $0x1;
	s4 =	sadd.s32 s5, s19  }
0x9d: {  	s8 =	simm.s32 $0x0;
	s20 =	sshll.u32 s6, $0x1;
	s6 =	sadd.s32 s21, s4  }
0x9e: {  	[timem:s8], [sflag:s22] =	dma.local [hbm:s6], s20  }
0x9f: {  	_ =	swait.ge [sflag:s22], s20  }
0xa0: {  	s5 =	ssub.s32 $0x0, s20;
	[sflag:s22] =	ssyncset.done $0x0  }
0xa1: {  	[sflag:s22] =	ssyncadd.s32 s5;
	_ =	sdelay $0x1  }
0xa2: {  	s23 =	simm.s32 $0x1B8B  }
0xa3: {  	_ =	swait.ge [sflag:s23], $0x1  }
0xa4: {  	[sflag:s23] =	ssyncset.done $0x0  }
0xa5: {  	s25 =	simm.s32 $0x1B8E;
	s24 =	sld [smem:$0x3FFE];
	[sflag:s23] =	ssyncadd.s32 $0xFFFFFFFF  }
0xa6: {  	s26 =	simm.s32 $execute0_lowered;
	[smem:$0x3FD2] =	sst s25  }
0xa7: {  	s6 =	sshll.u32 s26, $0x1;
	_ =	strace $0x80000046;
	[dreg:$0x1] =	wrdreg $0xFFFFFFFF  }
0xa8: {  	s28 =	simm.s32 $_size_execute0_lowered;
	s4 =	sadd.s32 s4, s6;
	[dreg:$0x0] =	wrdreg $0x0  }
0xa9: {  	s6 =	sshll.u32 s28, $0x1;
	[dreg:$0x2] =	wrdreg s4  }
0xaa: {  	[dreg:$0x3] =	wrdreg s6  }
0xab: {  	[dreg:$0x4] =	wrdreg $0xC0  }
0xac: {  	_ =	task [dreg:s8], $0x5FFFF  }
0xad: {  	[dreg:$0x1] =	wrdreg $0xFFFFFFFF  }
0xae: {  	[dreg:$0x0] =	wrdreg $0x60  }
0xaf: {  	[dreg:$0x2] =	wrdreg s24  }
0xb0: {  	[dreg:$0x3] =	wrdreg s2  }
0xb1: {  	[dreg:$0x4] =	wrdreg s18  }
0xb2: {  	[dreg:$0x5] =	wrdreg $0x104000  }
0xb3: {  	[dreg:$0x6] =	wrdreg $0x9  }
0xb4: {  	_ =	task.clear_ibuf [dreg:s8], $0x7FFFF;
	_ =	strace $0x90000046  }
0xb5: {  	s29 =	simm.s32 $0x9;
	_ =	strace $0x80000048  }
0xb6: {  	_ =	swait.ge [sflag:s29], $0x1  }
0xb7: {  	[sflag:s29] =	ssyncadd.s32 $0xFFFFFFFF  }
0xb8: {  	_ =	strace $0x90000048  }
0xb9: {  	_ =	sfence  }
0xba: {  	s30 =	sld [smem:$0x0];
	_ =	sdelay $0x2  }
0xbb: {  	s31 =	sshll.u32 s1, $0xD;
	s1 =	sshrl.u32 s1, $0x2  }
0xbc: {  	s3 =	sand.u32 $0x4000, s31;
	s1 =	sadd.s32 s1, s30  }
0xbd: {  	s0 =	sor.u32 s3, s0;
	s1 =	sshll.u32 s1, $0x11  }
0xbe: {  	s0 =	sor.u32 s1, s0  }
0xbf: {  	s0 =	sadd.s32 $0x8F2B, s0  }
0xc0: {  	[sflag:s0] =	ssyncadd.remote.s32 $0x1  }
0xc1: {  	_ =	sfence.sel $0xFFFF  }
0xc2: {  	[dreg:$0x0] =	wrdreg $0xFFFFFFFF;
	(pc) =	sbr.abs _section_cstart, $3  }
0xc3: {  	[dreg:$0x1] =	wrdreg $0xFFFFFFFF  }
0xc4: {  	_ =	task.clear_ibuf [dreg:s8], $0x2FFFF;
	_ =	strace $0x9FFFFFFF  }
0xc5: {  	(tm) =	ssettm $0x7FFFFFFF  }
tec
execute0_lowered:
.L_overlay_start_1:
0x0: {  	(tag) =	ssettag $0x1  }
0x1: {  	s1 =	rddreg [dreg:$0x0]  }
0x2: {  	s4 =	rddreg [dreg:$0x1];
	s0 =	srdreg.scid  }
0x3: {  	s8 =	stileid.u32;
	s5 =	rddreg [dreg:$0x2]  }
0x4: {  	s2 =	rddreg [dreg:$0x3];
	s0 =	sand.u32 $0x1, s0;
	s3 =	sshll.u32 s8, $0x1  }
0x5: {  	s25 =	sshll.u32 s8, $0xA;
	s6 =	sor.u32 s0, s3;
	s3 =	simm.s32 $0x0  }
0x6: {  	s26 =	sadd.s32 s4, s25;
	[smem:$0x7FF] =	sst s3  }
0x7: {  	s4 =	sadd.s32 $0x3C00, s4;
	_ =	strace $0x80000047;
	[dreg:$0x6] =	wrdreg s26  }
0x8: {  	s15 =	simm.s32 $0x80;
	[dreg:$0x7] =	wrdreg s4  }
0x9: {  	s16 =	simm.s32 $0x100;
	[dreg:$0x12] =	wrdreg s15  }
0xa: {  	s17 =	simm.s32 $0x180;
	[dreg:$0x13] =	wrdreg s16  }
0xb: {  	s18 =	simm.s32 $0x200;
	[dreg:$0x14] =	wrdreg s17  }
0xc: {  	s19 =	simm.s32 $0x280;
	s20 =	simm.s32 $0x300;
	[dreg:$0x15] =	wrdreg s18  }
0xd: {  	s22 =	simm.s32 $0x380;
	s7 =	sshll.u32 s6, $0x7;
	[dreg:$0x16] =	wrdreg s19  }
0xe: {  	s6 =	sshll.u32 s6, $0xD;
	s1 =	sadd.s32 s7, s1;
	[dreg:$0x17] =	wrdreg s20  }
0xf: {  	s10 =	sadd.s32 s5, s6;
	[dreg:$0x18] =	wrdreg s22;
	s1 =	sadd.s32 $0x400, s1  }
0x10: {  	s5 =	sadd.s32 $0x400, s10;
	[dreg:$0x5] =	wrdreg s1  }
0x11: {  	s6 =	sadd.s32 $0x800, s10;
	[dreg:$0x8] =	wrdreg s5  }
0x12: {  	s7 =	sadd.s32 $0xC00, s10;
	[dreg:$0x9] =	wrdreg s6  }
0x13: {  	s9 =	sadd.s32 $0x1000, s10;
	[dreg:$0xa] =	wrdreg s7  }
0x14: {  	s12 =	sadd.s32 $0x1400, s10;
	[dreg:$0xb] =	wrdreg s9  }
0x15: {  	s13 =	sadd.s32 $0x1800, s10;
	[dreg:$0xc] =	wrdreg s12  }
0x16: {  	s14 =	sadd.s32 $0x1C00, s10;
	[dreg:$0xd] =	wrdreg s13  }
0x17: {  	s11 =	sshll.u32 s8, $0xD;
	[dreg:$0xe] =	wrdreg s14  }
0x18: {  	p0 =	seq.s32 s8, $0xF;
	s5 =	sadd.s32 $0x1E000, s2;
	s7 =	rddreg [dreg:$0x7]  }
0x19: {  	s1 =	sshrl.u32 @p0 s5, $0x3;
	s5 =	sshll.u32 @!p0 s8, $0x6;
	s21 =	rddreg [dreg:$0x5]  }
0x1a: {  	s4 =	sadd.s32 s11, s2;
	[dreg:$0x11] =	wrdreg s1;
	s1 =	sor.u32 @!p0 $0x1C12, s5  }
0x1b: {  	[tilespmem:s3], [sflag:$0x1] =	stream.linear.gather [hbm4b:s21+s3], $0x400, $0x38;
	[tilespmem:$0x12348] =	vst v63  }
0x1c: {  	[dreg:$0xf] =	wrdreg s1;
	s1 =	sshrl.u32 @!p0 s4, $0x3  }
0x1d: {  	[dreg:$0x10] =	wrdreg s1  }
0x1e: {  	s6 =	simm.s32 @p0 $0x12;
	s5 =	simm.s32 @p0 $0x1FD2;
	s1 =	rddreg [dreg:$0x11]  }
0x1f: {  	[spmem:s1], [sflag:s5] =	dma.local @p0 [hbm:s7], $0x290  }
0x20: {  	_ =	swait.ge @p0 [sflag:s6], $0x290  }
0x21: {  	s1 =	rddreg [dreg:$0x10]  }
0x22: {  	s4 =	rddreg [dreg:$0x6];
	[sflag:s6] =	ssyncset.done @p0 $0x0  }
0x23: {  	s7 =	simm.s32 @!p0 $0x12;
	s5 =	rddreg [dreg:$0xf];
	[sflag:s6] =	ssyncadd.s32 @p0 $0xFFFFFD70  }
0x24: {  	[spmem:s1], [sflag:s5] =	dma.local @!p0 [hbm:s4], $0x400  }
0x25: {  	_ =	swait.ge @!p0 [sflag:s7], $0x400  }
0x26: {  	[sflag:s7] =	ssyncset.done @!p0 $0x0  }
0x27: {  	[sflag:s7] =	ssyncadd.s32 @!p0 $0xFFFFFC00  }
0x28: {  	s8 =	simm.s32 $0x1;
	[bflag:$0x0] =	sbarrier.arrive $0xFFFF  }
0x29: {  	_ =	swait.ge [sflag:s8], $0x400  }
0x2a: {  	[sflag:s8] =	ssyncset.done $0x0  }
0x2b: {  	s23 =	simm.s32 $0x400;
	s9 =	simm.s32 $0x40;
	[sflag:s8] =	ssyncadd.s32 $0xFFFFFC00  }
0x2c: {  	[tilespmem:s23], [sflag:$0x2] =	stream.indirect.gather [spmem:s2], $0x80, s3, s9, $0xb8;
	[tilespmem:$0x12348] =	vst v63  }
0x2d: {  	s11 =	simm.s32 $0x2400;
	s25 =	rddreg [dreg:$0x12]  }
0x2e: {  	[tilespmem:s11], [sflag:$0x3] =	stream.indirect.gather [spmem:s2], $0x80, s25, s9, $0xb8;
	[tilespmem:$0x12348] =	vst v63  }
0x2f: {  	s12 =	simm.s32 $0x4400;
	s26 =	rddreg [dreg:$0x13]  }
0x30: {  	[tilespmem:s12], [sflag:$0x4] =	stream.indirect.gather [spmem:s2], $0x80, s26, s9, $0xb8;
	[tilespmem:$0x12348] =	vst v63  }
0x31: {  	s14 =	simm.s32 $0x6400;
	s6 =	rddreg [dreg:$0x14]  }
0x32: {  	[tilespmem:s14], [sflag:$0x5] =	stream.indirect.gather [spmem:s2], $0x80, s6, s9, $0xb8;
	[tilespmem:$0x12348] =	vst v63  }
0x33: {  	s15 =	simm.s32 $0x8400;
	s13 =	rddreg [dreg:$0x15]  }
0x34: {  	[tilespmem:s15], [sflag:$0x6] =	stream.indirect.gather [spmem:s2], $0x80, s13, s9, $0xb8;
	[tilespmem:$0x12348] =	vst v63  }
0x35: {  	s17 =	simm.s32 $0xA400;
	s16 =	rddreg [dreg:$0x16]  }
0x36: {  	[tilespmem:s17], [sflag:$0x7] =	stream.indirect.gather [spmem:s2], $0x80, s16, s9, $0xb8;
	[tilespmem:$0x12348] =	vst v63  }
0x37: {  	s24 =	rddreg [dreg:$0x17];
	s13 =	simm.s32 $0xC400  }
0x38: {  	[tilespmem:s13], [sflag:$0x8] =	stream.indirect.gather [spmem:s2], $0x80, s24, s9, $0xb8;
	[tilespmem:$0x12348] =	vst v63  }
0x39: {  	s18 =	simm.s32 $0x2;
	s25 =	rddreg [dreg:$0x18];
	s26 =	simm.s32 $0xE400  }
0x3a: {  	[tilespmem:s26], [sflag:$0x9] =	stream.indirect.gather [spmem:s2], $0x80, s25, s9, $0xb8;
	[tilespmem:$0x12348] =	vst v63  }
0x3b: {  	_ =	swait.ge [sflag:s18], $0x2000  }
0x3c: {  	[sflag:s18] =	ssyncset.done $0x0  }
0x3d: {  	s19 =	simm.s32 $0x3;
	[dreg:$0x19] =	wrdreg s10;
	[sflag:s18] =	ssyncadd.s32 $0xFFFFE000  }
0x3e: {  	[hbm4b:s10+s3] =	stream.linear.scatter [tilespmem:s23], [sflag:$0xA], $0x2000, $0x38;
	[tilespmem:$0x12348] =	vst v63  }
0x3f: {  	_ =	swait.ge [sflag:s19], $0x2000  }
0x40: {  	[sflag:s19] =	ssyncset.done $0x0  }
0x41: {  	s20 =	simm.s32 $0x4;
	s5 =	rddreg [dreg:$0x8];
	[sflag:s19] =	ssyncadd.s32 $0xFFFFE000  }
0x42: {  	[hbm4b:s5+s3] =	stream.linear.scatter [tilespmem:s11], [sflag:$0xB], $0x2000, $0x38;
	[tilespmem:$0x12348] =	vst v63  }
0x43: {  	_ =	swait.ge [sflag:s20], $0x2000  }
0x44: {  	[sflag:s20] =	ssyncset.done $0x0  }
0x45: {  	s21 =	simm.s32 $0x5;
	s10 =	rddreg [dreg:$0x9];
	[sflag:s20] =	ssyncadd.s32 $0xFFFFE000  }
0x46: {  	[hbm4b:s10+s3] =	stream.linear.scatter [tilespmem:s12], [sflag:$0xC], $0x2000, $0x38;
	[tilespmem:$0x12348] =	vst v63  }
0x47: {  	_ =	swait.ge [sflag:s21], $0x2000  }
0x48: {  	[sflag:s21] =	ssyncset.done $0x0  }
0x49: {  	s22 =	simm.s32 $0x6;
	s11 =	rddreg [dreg:$0xa];
	[sflag:s21] =	ssyncadd.s32 $0xFFFFE000  }
0x4a: {  	[hbm4b:s11+s3] =	stream.linear.scatter [tilespmem:s14], [sflag:$0xD], $0x2000, $0x38;
	[tilespmem:$0x12348] =	vst v63  }
0x4b: {  	_ =	swait.ge [sflag:s22], $0x2000  }
0x4c: {  	[sflag:s22] =	ssyncset.done $0x0  }
0x4d: {  	s23 =	simm.s32 $0x7;
	s12 =	rddreg [dreg:$0xb];
	[sflag:s22] =	ssyncadd.s32 $0xFFFFE000  }
0x4e: {  	[hbm4b:s12+s3] =	stream.linear.scatter [tilespmem:s15], [sflag:$0xE], $0x2000, $0x38;
	[tilespmem:$0x12348] =	vst v63  }
0x4f: {  	_ =	swait.ge [sflag:s23], $0x2000  }
0x50: {  	[sflag:s23] =	ssyncset.done $0x0  }
0x51: {  	s24 =	simm.s32 $0x8;
	s14 =	rddreg [dreg:$0xc];
	[sflag:s23] =	ssyncadd.s32 $0xFFFFE000  }
0x52: {  	[hbm4b:s14+s3] =	stream.linear.scatter [tilespmem:s17], [sflag:$0xF], $0x2000, $0x38;
	[tilespmem:$0x12348] =	vst v63  }
0x53: {  	_ =	swait.ge [sflag:s24], $0x2000  }
0x54: {  	[sflag:s24] =	ssyncset.done $0x0  }
0x55: {  	s25 =	simm.s32 $0x9;
	s15 =	rddreg [dreg:$0xd];
	[sflag:s24] =	ssyncadd.s32 $0xFFFFE000  }
0x56: {  	[hbm4b:s15+s3] =	stream.linear.scatter [tilespmem:s13], [sflag:$0x10], $0x2000, $0x38;
	[tilespmem:$0x12348] =	vst v63  }
0x57: {  	_ =	swait.ge [sflag:s25], $0x2000  }
0x58: {  	[sflag:s25] =	ssyncset.done $0x0  }
0x59: {  	s16 =	rddreg [dreg:$0xe];
	[sflag:s25] =	ssyncadd.s32 $0xFFFFE000  }
0x5a: {  	[hbm4b:s16+s3] =	stream.linear.scatter [tilespmem:s26], [sflag:$0x11], $0x2000, $0x38;
	[tilespmem:$0x12348] =	vst v63  }
0x5b: {  	s26 =	simm.s32 $0xA  }
0x5c: {  	_ =	swait.ge [sflag:s26], $0x2000  }
0x5d: {  	[sflag:s26] =	ssyncset.done $0x0  }
0x5e: {  	s28 =	simm.s32 $0xB;
	[sflag:s26] =	ssyncadd.s32 $0xFFFFE000  }
0x5f: {  	_ =	swait.ge [sflag:s28], $0x2000  }
0x60: {  	[sflag:s28] =	ssyncset.done $0x0  }
0x61: {  	s29 =	simm.s32 $0xC;
	[sflag:s28] =	ssyncadd.s32 $0xFFFFE000  }
0x62: {  	_ =	swait.ge [sflag:s29], $0x2000  }
0x63: {  	[sflag:s29] =	ssyncset.done $0x0  }
0x64: {  	s30 =	simm.s32 $0xD;
	[sflag:s29] =	ssyncadd.s32 $0xFFFFE000  }
0x65: {  	_ =	swait.ge [sflag:s30], $0x2000  }
0x66: {  	s0 =	ssub.s32 $0x2, s0;
	[sflag:s30] =	ssyncset.done $0x0  }
0x67: {  	s31 =	simm.s32 $0xE;
	s17 =	sshrl.u32 s0, $0x1;
	[sflag:s30] =	ssyncadd.s32 $0xFFFFE000  }
0x68: {  	s0 =	ssub.s32 s0, s17;
	_ =	swait.ge [sflag:s31], $0x2000  }
0x69: {  	s4 =	smax.u32 s0, $0x1;
	[sflag:s31] =	ssyncset.done $0x0  }
0x6a: {  	s1 =	simm.s32 $0xF;
	s5 =	sadd.s32 $0xFFFFFFFF, s4;
	[sflag:s31] =	ssyncadd.s32 $0xFFFFE000  }
0x6b: {  	p1 =	sne.s32 s5, $0x0;
	_ =	swait.ge [sflag:s1], $0x2000  }
.Ltmp0:
0x6c: {  	[sflag:s1] =	ssyncset.done $0x0;
	(pc) =	sbr.rel @!p1 .LBB2_3-.Ltmp0, $4  }
0x6d: {  	s0 =	simm.s32 $0x10;
	[sflag:s1] =	ssyncadd.s32 $0xFFFFE000  }
0x6e: {  	_ =	swait.ge [sflag:s0], $0x2000  }
0x6f: {  	[sflag:s0] =	ssyncset.done $0x0  }
0x70: {  	s4 =	simm.s32 $0x11;
	[sflag:s0] =	ssyncadd.s32 $0xFFFFE000  }
0x71: {  	s14 =	simm.s32 $0x400;
	s15 =	simm.s32 $0x2400  }
0x72: {  	s16 =	simm.s32 $0x4400;
	s17 =	simm.s32 $0x6400;
	s13 =	simm.s32 $0x8400  }
.LBB2_2:
0x73: {  	_ =	swait.ge [sflag:s4], $0x2000  }
0x74: {  	s10 =	rddreg [dreg:$0x11];
	[sflag:s4] =	ssyncset.done $0x0  }
0x75: {  	s11 =	rddreg [dreg:$0x5];
	[sflag:s4] =	ssyncadd.s32 $0xFFFFE000  }
0x76: {  	[tilespmem:s3], [sflag:$0x1] =	stream.linear.gather [hbm4b:s11+s3], $0x400, $0x38;
	[tilespmem:$0x12348] =	vst v63  }
0x77: {  	s6 =	simm.s32 @p0 $0x12;
	s12 =	rddreg [dreg:$0x7];
	s11 =	simm.s32 @p0 $0x1FD2  }
0x78: {  	[spmem:s10], [sflag:s11] =	dma.local @p0 [hbm:s12], $0x290  }
0x79: {  	_ =	swait.ge @p0 [sflag:s6], $0x290  }
0x7a: {  	s10 =	rddreg [dreg:$0x10]  }
0x7b: {  	[sflag:s6] =	ssyncset.done @p0 $0x0;
	s11 =	rddreg [dreg:$0x6]  }
0x7c: {  	s12 =	rddreg [dreg:$0xf];
	[sflag:s6] =	ssyncadd.s32 @p0 $0xFFFFFD70  }
0x7d: {  	[spmem:s10], [sflag:s12] =	dma.local @!p0 [hbm:s11], $0x400  }
0x7e: {  	_ =	swait.ge @!p0 [sflag:s7], $0x400  }
0x7f: {  	[sflag:s7] =	ssyncset.done @!p0 $0x0  }
0x80: {  	[sflag:s7] =	ssyncadd.s32 @!p0 $0xFFFFFC00  }
0x81: {  	[bflag:$0x0] =	sbarrier.arrive $0xFFFF  }
0x82: {  	_ =	swait.ge [sflag:s8], $0x400  }
0x83: {  	[sflag:s8] =	ssyncset.done $0x0  }
0x84: {  	[sflag:s8] =	ssyncadd.s32 $0xFFFFFC00  }
0x85: {  	[tilespmem:s14], [sflag:$0x2] =	stream.indirect.gather [spmem:s2], $0x80, s3, s9, $0xb8;
	[tilespmem:$0x12348] =	vst v63  }
0x86: {  	s6 =	rddreg [dreg:$0x12]  }
0x87: {  	[tilespmem:s15], [sflag:$0x3] =	stream.indirect.gather [spmem:s2], $0x80, s6, s9, $0xb8;
	[tilespmem:$0x12348] =	vst v63  }
0x88: {  	s11 =	rddreg [dreg:$0x13]  }
0x89: {  	[tilespmem:s16], [sflag:$0x4] =	stream.indirect.gather [spmem:s2], $0x80, s11, s9, $0xb8;
	[tilespmem:$0x12348] =	vst v63  }
0x8a: {  	s12 =	rddreg [dreg:$0x14]  }
0x8b: {  	[tilespmem:s17], [sflag:$0x5] =	stream.indirect.gather [spmem:s2], $0x80, s12, s9, $0xb8;
	[tilespmem:$0x12348] =	vst v63  }
0x8c: {  	s6 =	rddreg [dreg:$0x15]  }
0x8d: {  	[tilespmem:s13], [sflag:$0x6] =	stream.indirect.gather [spmem:s2], $0x80, s6, s9, $0xb8;
	[tilespmem:$0x12348] =	vst v63  }
0x8e: {  	s11 =	rddreg [dreg:$0x16];
	s6 =	simm.s32 $0xA400  }
0x8f: {  	[tilespmem:s6], [sflag:$0x7] =	stream.indirect.gather [spmem:s2], $0x80, s11, s9, $0xb8;
	[tilespmem:$0x12348] =	vst v63  }
0x90: {  	s12 =	rddreg [dreg:$0x17];
	s11 =	simm.s32 $0xC400  }
0x91: {  	[tilespmem:s11], [sflag:$0x8] =	stream.indirect.gather [spmem:s2], $0x80, s12, s9, $0xb8;
	[tilespmem:$0x12348] =	vst v63  }
0x92: {  	s10 =	rddreg [dreg:$0x18];
	s12 =	simm.s32 $0xE400  }
0x93: {  	[tilespmem:s12], [sflag:$0x9] =	stream.indirect.gather [spmem:s2], $0x80, s10, s9, $0xb8;
	[tilespmem:$0x12348] =	vst v63  }
0x94: {  	_ =	swait.ge [sflag:s18], $0x2000  }
0x95: {  	[sflag:s18] =	ssyncset.done $0x0  }
0x96: {  	s10 =	rddreg [dreg:$0x19];
	[sflag:s18] =	ssyncadd.s32 $0xFFFFE000  }
0x97: {  	[hbm4b:s10+s3] =	stream.linear.scatter [tilespmem:s14], [sflag:$0xA], $0x2000, $0x38;
	[tilespmem:$0x12348] =	vst v63  }
0x98: {  	_ =	swait.ge [sflag:s19], $0x2000  }
0x99: {  	[sflag:s19] =	ssyncset.done $0x0  }
0x9a: {  	s10 =	rddreg [dreg:$0x8];
	[sflag:s19] =	ssyncadd.s32 $0xFFFFE000  }
0x9b: {  	[hbm4b:s10+s3] =	stream.linear.scatter [tilespmem:s15], [sflag:$0xB], $0x2000, $0x38;
	[tilespmem:$0x12348] =	vst v63  }
0x9c: {  	_ =	swait.ge [sflag:s20], $0x2000  }
0x9d: {  	[sflag:s20] =	ssyncset.done $0x0  }
0x9e: {  	s10 =	rddreg [dreg:$0x9];
	[sflag:s20] =	ssyncadd.s32 $0xFFFFE000  }
0x9f: {  	[hbm4b:s10+s3] =	stream.linear.scatter [tilespmem:s16], [sflag:$0xC], $0x2000, $0x38;
	[tilespmem:$0x12348] =	vst v63  }
0xa0: {  	_ =	swait.ge [sflag:s21], $0x2000  }
0xa1: {  	[sflag:s21] =	ssyncset.done $0x0  }
0xa2: {  	s10 =	rddreg [dreg:$0xa];
	[sflag:s21] =	ssyncadd.s32 $0xFFFFE000  }
0xa3: {  	[hbm4b:s10+s3] =	stream.linear.scatter [tilespmem:s17], [sflag:$0xD], $0x2000, $0x38;
	[tilespmem:$0x12348] =	vst v63  }
0xa4: {  	_ =	swait.ge [sflag:s22], $0x2000  }
0xa5: {  	[sflag:s22] =	ssyncset.done $0x0  }
0xa6: {  	s10 =	rddreg [dreg:$0xb];
	[sflag:s22] =	ssyncadd.s32 $0xFFFFE000  }
0xa7: {  	[hbm4b:s10+s3] =	stream.linear.scatter [tilespmem:s13], [sflag:$0xE], $0x2000, $0x38;
	[tilespmem:$0x12348] =	vst v63  }
0xa8: {  	_ =	swait.ge [sflag:s23], $0x2000  }
0xa9: {  	[sflag:s23] =	ssyncset.done $0x0  }
0xaa: {  	s10 =	rddreg [dreg:$0xc];
	[sflag:s23] =	ssyncadd.s32 $0xFFFFE000  }
0xab: {  	[hbm4b:s10+s3] =	stream.linear.scatter [tilespmem:s6], [sflag:$0xF], $0x2000, $0x38;
	[tilespmem:$0x12348] =	vst v63  }
0xac: {  	_ =	swait.ge [sflag:s24], $0x2000  }
0xad: {  	[sflag:s24] =	ssyncset.done $0x0  }
0xae: {  	s6 =	rddreg [dreg:$0xd];
	[sflag:s24] =	ssyncadd.s32 $0xFFFFE000  }
0xaf: {  	[hbm4b:s6+s3] =	stream.linear.scatter [tilespmem:s11], [sflag:$0x10], $0x2000, $0x38;
	[tilespmem:$0x12348] =	vst v63  }
0xb0: {  	_ =	swait.ge [sflag:s25], $0x2000  }
0xb1: {  	[sflag:s25] =	ssyncset.done $0x0  }
0xb2: {  	s11 =	rddreg [dreg:$0xe];
	[sflag:s25] =	ssyncadd.s32 $0xFFFFE000  }
0xb3: {  	[hbm4b:s11+s3] =	stream.linear.scatter [tilespmem:s12], [sflag:$0x11], $0x2000, $0x38;
	[tilespmem:$0x12348] =	vst v63  }
0xb4: {  	_ =	swait.ge [sflag:s26], $0x2000  }
0xb5: {  	[sflag:s26] =	ssyncset.done $0x0  }
0xb6: {  	[sflag:s26] =	ssyncadd.s32 $0xFFFFE000  }
0xb7: {  	_ =	swait.ge [sflag:s28], $0x2000  }
0xb8: {  	[sflag:s28] =	ssyncset.done $0x0  }
0xb9: {  	[sflag:s28] =	ssyncadd.s32 $0xFFFFE000  }
0xba: {  	_ =	swait.ge [sflag:s29], $0x2000  }
0xbb: {  	[sflag:s29] =	ssyncset.done $0x0  }
0xbc: {  	[sflag:s29] =	ssyncadd.s32 $0xFFFFE000  }
0xbd: {  	_ =	swait.ge [sflag:s30], $0x2000  }
0xbe: {  	[sflag:s30] =	ssyncset.done $0x0  }
0xbf: {  	[sflag:s30] =	ssyncadd.s32 $0xFFFFE000  }
0xc0: {  	_ =	swait.ge [sflag:s31], $0x2000  }
0xc1: {  	[sflag:s31] =	ssyncset.done $0x0  }
0xc2: {  	s5 =	sadd.s32 $0xFFFFFFFF, s5;
	[sflag:s31] =	ssyncadd.s32 $0xFFFFE000  }
0xc3: {  	p1 =	sne.s32 s5, $0x0;
	_ =	swait.ge [sflag:s1], $0x2000  }
.Ltmp1:
0xc4: {  	[sflag:s1] =	ssyncset.done $0x0;
	(pc) =	sbr.rel @p1 .LBB2_2-.Ltmp1, $4  }
0xc5: {  	[sflag:s1] =	ssyncadd.s32 $0xFFFFE000  }
0xc6: {  	_ =	swait.ge [sflag:s0], $0x2000  }
0xc7: {  	[sflag:s0] =	ssyncset.done $0x0  }
0xc8: {  	[sflag:s0] =	ssyncadd.s32 $0xFFFFE000  }
.LBB2_3:
0xc9: {  	_ =	swait.ge [sflag:s4], $0x2000  }
0xca: {  	[sflag:s4] =	ssyncset.done $0x0  }
0xcb: {  	[sflag:s4] =	ssyncadd.s32 $0xFFFFE000  }
0xcc: {  	_ =	sfence.sel $0x180000  }
0xcd: {  	[bflag:$0x0] =	sbarrier.arrive $0xFFFF  }
0xce: {  	_ =	strace $0x90000047  }
0xcf: {  	s0 =	stileid.u32;
	[bflag:$0x2] =	sbarrier.arrive $0xFFFF  }
0xd0: {  	p0 =	sne.s32 s0, $0x0;
	s0 =	rddreg [dreg:$0x4]  }
0xd1: {  	s0 =	sadd.s32 @!p0 $0x100000, s0  }
0xd2: {  	[sflag:s0] =	ssyncadd.tile.s32 @!p0 $0x1;
	_ =	shalt  }
.Lfunc_end2:
_tile_overlayer_lowered:
.L_overlay_start_2:
0xd3: {  	(tag) =	ssettag $0x2  }
0xd4: {  	s0 =	rddreg [dreg:$0x0];
	s2 =	stileid.u32  }
0xd5: {  	s1 =	rddreg [dreg:$0x1];
	p0 =	sne.s32 s2, $0x0  }
0xd6: {  	s3 =	rddreg [dreg:$0x2];
	[bflag:$0x3] =	sbarrier.arrive $0xFFFF;
	s2 =	simm.s32 @!p0 $0x1C12  }
0xd7: {  	[timem:s3], [sflag:s2] =	dma.local @!p0 [hbm:s0], s1  }
0xd8: {  	s0 =	simm.s32 @!p0 $0x12  }
0xd9: {  	_ =	swait.ge @!p0 [sflag:s0], s1  }
0xda: {  	s1 =	ssub.s32 @!p0 $0x0, s1;
	[sflag:s0] =	ssyncset.done @!p0 $0x0  }
0xdb: {  	[sflag:s0] =	ssyncadd.s32 @!p0 s1  }
0xdc: {  	[bflag:$0x3] =	sbarrier.arrive $0xFFFF  }
0xdd: {  	_ =	shalt  }

</sc_bundles>
